<compile_context>
chip_gen: v7x
topology: tpu7x:2x2x1
jax: 0.10.2.dev20260603
libtpu: 0.0.44.dev20260713+nightly
codegen_flags: <defaults>
</compile_context>

<pallas_src>
import functools

import jax
import jax.numpy as jnp
from jax import lax
from jax.experimental import pallas as pl
from jax.experimental.pallas import tpu as pltpu
from jax.experimental.pallas import tpu_sc as plsc

B, K, D = 2048, 256, 128
BLOCK_B = 128
HALVES = 2
BH = B // HALVES
GROUPS = BH // 16
NW = 32
GPW = GROUPS // (NW // 2)


def _scan_kernel(x_ref, c_ref, out1_ref, out2_ref):
    x = x_ref[...]

    inf = jnp.float32(jnp.inf)
    min1 = jnp.full((BLOCK_B, D), inf, jnp.float32)
    min2 = jnp.full((BLOCK_B, D), inf, jnp.float32)
    arg1 = jnp.zeros((BLOCK_B, D), jnp.int32)
    arg2 = jnp.zeros((BLOCK_B, D), jnp.int32)

    def body(kk, carry):
        m1, a1, m2, a2 = carry
        k = K - 1 - kk
        crow = c_ref[pl.ds(k, 1), :]
        d = x - crow
        d = d * d
        le1 = d <= m1
        le2 = d <= m2
        ki = jnp.full((), k, jnp.int32)
        new_m2 = jnp.minimum(m2, jnp.maximum(d, m1))
        new_a2 = jnp.where(le1, a1, jnp.where(le2, ki, a2))
        new_m1 = jnp.minimum(m1, d)
        new_a1 = jnp.where(le1, ki, a1)
        return new_m1, new_a1, new_m2, new_a2

    arg1, arg2 = lax.fori_loop(0, K, body, (min1, arg1, min2, arg2),
                               unroll=32)[1::2]

    out1_ref[...] = jnp.transpose(
        arg1.reshape(BLOCK_B // 16, 16, D), (0, 2, 1))
    out2_ref[...] = jnp.transpose(
        arg2.reshape(BLOCK_B // 16, 16, D), (0, 2, 1))


def _sc_mode_kernel(a1_hbm, a2_hbm, o1_hbm, o2_hbm, rows_v, counts_v,
                    mode_v):
    wid = lax.axis_index("s") * 2 + lax.axis_index("c")
    second = wid >= 16
    w = wid % 16

    lanes = lax.iota(jnp.int32, 16)
    zero16 = jnp.zeros((16,), jnp.int32)

    def zero_body(b, _):
        counts_v[pl.ds(b * 16, 16)] = zero16
        return 0

    lax.fori_loop(0, K, zero_body, 0)

    def group_body(g, _):
        grp = w * GPW + g

        @pl.when(second)
        def _():
            pltpu.sync_copy(a2_hbm.at[grp], rows_v)

        @pl.when(jnp.logical_not(second))
        def _():
            pltpu.sync_copy(a1_hbm.at[grp], rows_v)

        epoch = g * 256

        def d_body(d, best):
            idx = rows_v[d]
            flat = idx * 16 + lanes
            cur = plsc.load_gather(counts_v, [flat])
            cnt = jnp.maximum(cur - epoch, 0) + 1
            plsc.store_scatter(counts_v, [flat], cnt + epoch)
            key = cnt * 256 + (255 - idx)
            return jnp.maximum(best, key)

        best = lax.fori_loop(0, D, d_body, zero16)
        mode_v[...] = 255 - (best & 255)

        @pl.when(second)
        def _():
            pltpu.sync_copy(mode_v, o2_hbm.at[pl.ds(grp * 16, 16)])

        @pl.when(jnp.logical_not(second))
        def _():
            pltpu.sync_copy(mode_v, o1_hbm.at[pl.ds(grp * 16, 16)])

        return 0

    lax.fori_loop(0, GPW, group_body, 0)


LOSS_B = 256


def _loss_kernel(x_ref, c_ref, pos_ref, neg_ref, out_ref):
    x = x_ref[...]
    i = pl.program_id(0)

    iota_k = lax.broadcasted_iota(jnp.int32, (LOSS_B, K), 1)
    oh_p = (iota_k == pos_ref[...]).astype(jnp.float32)
    oh_n = (iota_k == neg_ref[...]).astype(jnp.float32)
    pos = lax.dot(oh_p, c_ref[...], preferred_element_type=jnp.float32)
    neg = lax.dot(oh_n, c_ref[...], preferred_element_type=jnp.float32)

    eps = jnp.float32(1e-6)
    dap = x - pos + eps
    dan = x - neg + eps
    dpn = pos - neg + eps
    d_ap = jnp.sqrt(jnp.sum(dap * dap, axis=1, keepdims=True))
    d_an = jnp.sqrt(jnp.sum(dan * dan, axis=1, keepdims=True))
    d_pn = jnp.sqrt(jnp.sum(dpn * dpn, axis=1, keepdims=True))
    d_neg = jnp.minimum(d_an, d_pn)
    partial = jnp.sum(jnp.maximum(d_ap - d_neg + 1.0, 0.0),
                      axis=0, keepdims=True)

    @pl.when(i == 0)
    def _():
        out_ref[...] = jnp.zeros((1, 1), jnp.float32)

    out_ref[...] += partial


def _sc_mode(argsT1, argsT2):
    fn = functools.partial(
        pl.kernel,
        out_type=[jax.ShapeDtypeStruct((BH,), jnp.int32),
                  jax.ShapeDtypeStruct((BH,), jnp.int32)],
        scratch_types=[pltpu.VMEM((D, 16), jnp.int32),
                       pltpu.VMEM((K * 16,), jnp.int32),
                       pltpu.VMEM((16,), jnp.int32)],
        mesh=plsc.VectorSubcoreMesh(core_axis_name="c",
                                    subcore_axis_name="s"),
        compiler_params=pltpu.CompilerParams(needs_layout_passes=False),
    )(_sc_mode_kernel)
    return fn(argsT1, argsT2)


def _scan(xh, centroids):
    return pl.pallas_call(
        _scan_kernel,
        grid=(BH // BLOCK_B,),
        in_specs=[
            pl.BlockSpec((BLOCK_B, D), lambda i: (i, 0)),
            pl.BlockSpec((K, D), lambda i: (0, 0)),
        ],
        out_specs=[
            pl.BlockSpec((BLOCK_B // 16, D, 16), lambda i: (i, 0, 0)),
            pl.BlockSpec((BLOCK_B // 16, D, 16), lambda i: (i, 0, 0)),
        ],
        out_shape=[
            jax.ShapeDtypeStruct((GROUPS, D, 16), jnp.int32),
            jax.ShapeDtypeStruct((GROUPS, D, 16), jnp.int32),
        ],
    )(xh, centroids)


def _loss(x, centroids, pos_idx, neg_idx):
    return pl.pallas_call(
        _loss_kernel,
        grid=(B // LOSS_B,),
        in_specs=[
            pl.BlockSpec((LOSS_B, D), lambda i: (i, 0)),
            pl.BlockSpec((K, D), lambda i: (0, 0)),
            pl.BlockSpec((LOSS_B, 1), lambda i: (i, 0)),
            pl.BlockSpec((LOSS_B, 1), lambda i: (i, 0)),
        ],
        out_specs=pl.BlockSpec((1, 1), lambda i: (0, 0)),
        out_shape=jax.ShapeDtypeStruct((1, 1), jnp.float32),
    )(x, centroids, pos_idx.reshape(B, 1), neg_idx.reshape(B, 1))


@jax.jit
def kernel(input_features, centroids):
    halves = [input_features[h * BH:(h + 1) * BH] for h in range(HALVES)]
    args = [_scan(xh, centroids) for xh in halves]
    modes = [_sc_mode(a1, a2) for (a1, a2) in args]
    pos_idx = jnp.concatenate([m[0] for m in modes])
    neg_idx = jnp.concatenate([m[1] for m in modes])
    total = _loss(input_features, centroids, pos_idx, neg_idx)
    return total[0, 0] / B

# --- scband reference (transcript-rebuilt; emitter-appended) ---
"""Pipeline reference for scband-centre-triplet-loss-25228637896962 (READ-ONLY COPY).

The authoritative reference and input builder live on the scoring server;
editing this copy changes nothing except your own understanding.
"""

import jax, jax.numpy as jnp
import numpy as np

B, K, D = 2048, 256, 128


def setup_inputs(seed: int = 0) -> dict:
    key = jax.random.key(seed)
    k1, k2 = jax.random.split(key)
    input_features = jax.random.normal(k1, (B, D), dtype=jnp.float32)
    centroids = jax.random.normal(k2, (K, D), dtype=jnp.float32)
    return {"input_features": input_features, "centroids": centroids}


def _mode_rows(idx, num_classes):
    # torch.mode along dim=-1: most frequent value per row; ties -> smallest value
    b = idx.shape[0]
    counts = jnp.zeros((b, num_classes), jnp.int32).at[
        jnp.arange(b)[:, None], idx
    ].add(1)
    # argmax returns first (smallest index == smallest value) among ties
    return jnp.argmax(counts, axis=1)


def reference(input_features, centroids):
    Kc = centroids.shape[0]
    # F.mse_loss(x.unsqueeze(1).repeat(1,K,1), centroids, reduce=False):
    # elementwise squared difference, shape [B, K, D]
    diff = input_features[:, None, :] - centroids[None, :, :]
    distances = diff * diff
    # torch.topk(distances, k=2, dim=1, largest=False, sorted=True)[1]
    d_t = jnp.moveaxis(distances, 1, -1)  # [B, D, K]
    _, idx = jax.lax.top_k(-d_t, 2)  # smallest two along centroid axis -> [B, D, 2]
    closest0 = idx[..., 0]  # [B, D]  (== closest[:, 0, :])
    closest1 = idx[..., 1]  # [B, D]  (== closest[:, 1, :])
    pos_idx = _mode_rows(closest0, Kc)  # [B]
    neg_idx = _mode_rows(closest1, Kc)  # [B]
    positives = jnp.take(centroids, pos_idx, axis=0)  # [B, D]
    negatives = jnp.take(centroids, neg_idx, axis=0)  # [B, D]
    # F.triplet_margin_loss(anchor, pos, neg, margin=1, swap=True), p=2, eps=1e-6,
    # reduction='mean'
    eps = 1e-6
    d_ap = jnp.linalg.norm(input_features - positives + eps, axis=-1)
    d_an = jnp.linalg.norm(input_features - negatives + eps, axis=-1)
    d_pn = jnp.linalg.norm(positives - negatives + eps, axis=-1)
    d_neg = jnp.minimum(d_an, d_pn)  # swap=True
    loss = jnp.mean(jnp.maximum(d_ap - d_neg + 1.0, 0.0))
    return loss

if __name__ == "__main__":
    import jax
    _d = setup_inputs()
    print(jax.jit(kernel)(*tuple(_d.values())))

</pallas_src>

<mosaic_0001>
#map = affine_map<(d0, d1) -> (0, 0, 0)>
#map1 = affine_map<(d0, d1) -> (0)>
module attributes {stable_mosaic.version = 14 : i64} {
  func.func @_sc_mode_kernel(%arg0: i32, %arg1: i32, %arg2: memref<64x128x16xi32, #tpu.memory_space<hbm>>, %arg3: memref<64x128x16xi32, #tpu.memory_space<hbm>>, %arg4: memref<1024xi32, #tpu.memory_space<hbm>>, %arg5: memref<1024xi32, #tpu.memory_space<hbm>>, %arg6: memref<128x16xi32, #tpu.memory_space<vmem>>, %arg7: memref<4096xi32, #tpu.memory_space<vmem>>, %arg8: memref<16xi32, #tpu.memory_space<vmem>>) attributes {dimension_semantics = [#tpu.dimension_semantics<core_parallel>, #tpu.dimension_semantics<subcore_parallel>], iteration_bounds = array<i64: 2, 16>, scalar_prefetch = 0 : i64, scratch_operands = 3 : i64, tpu.core_type = #tpu.core_type<sc_vector_subcore>, window_params = [{transform_indices = #map}, {transform_indices = #map}, {transform_indices = #map1}, {transform_indices = #map1}]} {
    %mul3A = arith.constant 2 : i32
    %mul3A_0 = arith.muli %arg1, %mul3A : i32
    %add3A = arith.addi %mul3A_0, %arg0 : i32
    %ge3A = arith.constant 16 : i32
    %ge3A_1 = arith.cmpi sge, %add3A, %ge3A : i32
    %jit3A = arith.constant 16 : i32
    %eq3A = arith.constant 0 : i32
    %eq3A_2 = arith.cmpi eq, %jit3A, %eq3A : i32
    %jit3A_3 = arith.constant 1 : i32
    %select_n3A = arith.select %eq3A_2, %jit3A_3, %jit3A : i32
    %rem3A = arith.remsi %add3A, %select_n3A : i32
    %ne3A = arith.constant 0 : i32
    %ne3A_4 = arith.cmpi ne, %rem3A, %ne3A : i32
    %lt3A = arith.constant 0 : i32
    %lt3A_5 = arith.cmpi slt, %rem3A, %lt3A : i32
    %lt3A_6 = arith.constant 0 : i32
    %lt3A_7 = arith.cmpi slt, %select_n3A, %lt3A_6 : i32
    %ne3A_8 = arith.xori %lt3A_5, %lt3A_7 : i1
    %and3A = arith.andi %ne3A_8, %ne3A_4 : i1
    %add3A_9 = arith.addi %rem3A, %select_n3A : i32
    %select_n3A_10 = arith.select %and3A, %add3A_9, %rem3A : i32
    %iota3A = tpu.iota {dimensions = array<i32: 0>} : vector<16xi32>
    %broadcast_in_dim3A = arith.constant 0 : i32
    %broadcast_in_dim3A_11 = vector.broadcast %broadcast_in_dim3A : i32 to vector<16xi32>
    %scan3A = arith.constant 0 : i32
    %scan3A_12 = arith.constant 0 : i32
    %scan3A_13 = arith.constant 256 : i32
    %scan3A_14 = arith.addi %scan3A_12, %scan3A_13 : i32
    %scan3A_15 = arith.constant 1 : i32
    %scan3A_16 = scf.for %scan3A_25 = %scan3A_12 to %scan3A_14 step %scan3A_15 iter_args(%scan3A_26 = %scan3A) -> (i32)  : i32 {
      %mul3A_27 = arith.constant 16 : i32
      %mul3A_28 = arith.muli %scan3A_25, %mul3A_27 : i32
      %swap3A = arith.index_cast %mul3A_28 : i32 to index
      %swap3A_29 = tpu.vector_load %arg7[%swap3A] {strides = array<i32>} : memref<4096xi32, #tpu.memory_space<vmem>>, vector<16xi32>,
      tpu.vector_store %arg7[%swap3A], %broadcast_in_dim3A_11 {strides = array<i32>} : memref<4096xi32, #tpu.memory_space<vmem>>, vector<16xi32>,
      %scan3A_30 = arith.constant 0 : i32
      scf.yield %scan3A_30 : i32
    }
    %scan3A_17 = arith.constant 256 : i32
    %scan3A_18 = arith.constant 0 : i32
    %scan3A_19 = arith.constant 0 : i32
    %scan3A_20 = arith.constant 4 : i32
    %scan3A_21 = arith.addi %scan3A_19, %scan3A_20 : i32
    %scan3A_22 = arith.constant 1 : i32
    %scan3A_23 = scf.for %scan3A_25 = %scan3A_19 to %scan3A_21 step %scan3A_22 iter_args(%scan3A_26 = %scan3A_18) -> (i32)  : i32 {
      %mul3A_27 = arith.constant 4 : i32
      %mul3A_28 = arith.muli %select_n3A_10, %mul3A_27 : i32
      %add3A_29 = arith.addi %mul3A_28, %scan3A_25 : i32
      %convert_element_type3A = arith.extui %ge3A_1 : i1 to i32
      %cond3A = arith.constant 0 : i32
      %cond3A_30 = arith.cmpi ne, %convert_element_type3A, %cond3A : i32
      scf.if %cond3A_30 {
        "tpu.region"() ({
          %run_scoped3A = tpu.sem_alloc : memref<!tpu.dma_semaphore, #tpu.memory_space<semaphore_mem>>
          %dma_start3A = arith.constant 0 : i32
          %dma_start3A_58 = arith.constant 0 : i32
          %dma_start3A_59 = tpu.memref_slice %arg3[%add3A_29, %dma_start3A, %dma_start3A_58] : memref<64x128x16xi32, #tpu.memory_space<hbm>> -> memref<1x128x16xi32, #tpu.memory_space<hbm>>
          %dma_start3A_60 = tpu.memref_squeeze %dma_start3A_59 : memref<1x128x16xi32, #tpu.memory_space<hbm>> -> memref<128x16xi32, #tpu.memory_space<hbm>>
          %dma_start3A_61 = arith.constant 0 : i32
          %dma_start3A_62 = arith.constant 0 : i32
          %dma_start3A_63 = tpu.memref_slice %arg3[%add3A_29, %dma_start3A_61, %dma_start3A_62] : memref<64x128x16xi32, #tpu.memory_space<hbm>> -> memref<1x128x16xi32, #tpu.memory_space<hbm>>
          %dma_start3A_64 = tpu.memref_squeeze %dma_start3A_63 : memref<1x128x16xi32, #tpu.memory_space<hbm>> -> memref<128x16xi32, #tpu.memory_space<hbm>>
          tpu.enqueue_dma source(%dma_start3A_64 : memref<128x16xi32, #tpu.memory_space<hbm>>) target(%arg6 : memref<128x16xi32, #tpu.memory_space<vmem>>) target_semaphore(%run_scoped3A : memref<!tpu.dma_semaphore, #tpu.memory_space<semaphore_mem>>)
          %dma_wait3A = arith.constant 0 : i32
          %dma_wait3A_65 = arith.constant 0 : i32
          %dma_wait3A_66 = tpu.memref_slice %arg3[%add3A_29, %dma_wait3A, %dma_wait3A_65] : memref<64x128x16xi32, #tpu.memory_space<hbm>> -> memref<1x128x16xi32, #tpu.memory_space<hbm>>
          %dma_wait3A_67 = tpu.memref_squeeze %dma_wait3A_66 : memref<1x128x16xi32, #tpu.memory_space<hbm>> -> memref<128x16xi32, #tpu.memory_space<hbm>>
          %dma_wait3A_68 = arith.constant 0 : i32
          %dma_wait3A_69 = arith.constant 0 : i32
          %dma_wait3A_70 = tpu.memref_slice %arg3[%add3A_29, %dma_wait3A_68, %dma_wait3A_69] : memref<64x128x16xi32, #tpu.memory_space<hbm>> -> memref<1x128x16xi32, #tpu.memory_space<hbm>>
          %dma_wait3A_71 = tpu.memref_squeeze %dma_wait3A_70 : memref<1x128x16xi32, #tpu.memory_space<hbm>> -> memref<128x16xi32, #tpu.memory_space<hbm>>
          tpu.wait_dma2 semaphore(%run_scoped3A : memref<!tpu.dma_semaphore, #tpu.memory_space<semaphore_mem>>) src(%dma_wait3A_71 : memref<128x16xi32, #tpu.memory_space<hbm>>) dst(%arg6 : memref<128x16xi32, #tpu.memory_space<vmem>>)
          tpu.yield
        }) : () -> ()
      } else {
      }
      %not3A = arith.constant true
      %not3A_31 = arith.xori %ge3A_1, %not3A : i1
      %convert_element_type3A_32 = arith.extui %not3A_31 : i1 to i32
      %cond3A_33 = arith.constant 0 : i32
      %cond3A_34 = arith.cmpi ne, %convert_element_type3A_32, %cond3A_33 : i32
      scf.if %cond3A_34 {
        "tpu.region"() ({
          %run_scoped3A = tpu.sem_alloc : memref<!tpu.dma_semaphore, #tpu.memory_space<semaphore_mem>>
          %dma_start3A = arith.constant 0 : i32
          %dma_start3A_58 = arith.constant 0 : i32
          %dma_start3A_59 = tpu.memref_slice %arg2[%add3A_29, %dma_start3A, %dma_start3A_58] : memref<64x128x16xi32, #tpu.memory_space<hbm>> -> memref<1x128x16xi32, #tpu.memory_space<hbm>>
          %dma_start3A_60 = tpu.memref_squeeze %dma_start3A_59 : memref<1x128x16xi32, #tpu.memory_space<hbm>> -> memref<128x16xi32, #tpu.memory_space<hbm>>
          %dma_start3A_61 = arith.constant 0 : i32
          %dma_start3A_62 = arith.constant 0 : i32
          %dma_start3A_63 = tpu.memref_slice %arg2[%add3A_29, %dma_start3A_61, %dma_start3A_62] : memref<64x128x16xi32, #tpu.memory_space<hbm>> -> memref<1x128x16xi32, #tpu.memory_space<hbm>>
          %dma_start3A_64 = tpu.memref_squeeze %dma_start3A_63 : memref<1x128x16xi32, #tpu.memory_space<hbm>> -> memref<128x16xi32, #tpu.memory_space<hbm>>
          tpu.enqueue_dma source(%dma_start3A_64 : memref<128x16xi32, #tpu.memory_space<hbm>>) target(%arg6 : memref<128x16xi32, #tpu.memory_space<vmem>>) target_semaphore(%run_scoped3A : memref<!tpu.dma_semaphore, #tpu.memory_space<semaphore_mem>>)
          %dma_wait3A = arith.constant 0 : i32
          %dma_wait3A_65 = arith.constant 0 : i32
          %dma_wait3A_66 = tpu.memref_slice %arg2[%add3A_29, %dma_wait3A, %dma_wait3A_65] : memref<64x128x16xi32, #tpu.memory_space<hbm>> -> memref<1x128x16xi32, #tpu.memory_space<hbm>>
          %dma_wait3A_67 = tpu.memref_squeeze %dma_wait3A_66 : memref<1x128x16xi32, #tpu.memory_space<hbm>> -> memref<128x16xi32, #tpu.memory_space<hbm>>
          %dma_wait3A_68 = arith.constant 0 : i32
          %dma_wait3A_69 = arith.constant 0 : i32
          %dma_wait3A_70 = tpu.memref_slice %arg2[%add3A_29, %dma_wait3A_68, %dma_wait3A_69] : memref<64x128x16xi32, #tpu.memory_space<hbm>> -> memref<1x128x16xi32, #tpu.memory_space<hbm>>
          %dma_wait3A_71 = tpu.memref_squeeze %dma_wait3A_70 : memref<1x128x16xi32, #tpu.memory_space<hbm>> -> memref<128x16xi32, #tpu.memory_space<hbm>>
          tpu.wait_dma2 semaphore(%run_scoped3A : memref<!tpu.dma_semaphore, #tpu.memory_space<semaphore_mem>>) src(%dma_wait3A_71 : memref<128x16xi32, #tpu.memory_space<hbm>>) dst(%arg6 : memref<128x16xi32, #tpu.memory_space<vmem>>)
          tpu.yield
        }) : () -> ()
      } else {
      }
      %mul3A_35 = arith.constant 256 : i32
      %mul3A_36 = arith.muli %scan3A_25, %mul3A_35 : i32
      %scan3A_37 = arith.constant 0 : i32
      %scan3A_38 = arith.constant 128 : i32
      %scan3A_39 = arith.addi %scan3A_37, %scan3A_38 : i32
      %scan3A_40 = arith.constant 1 : i32
      %scan3A_41 = scf.for %scan3A_58 = %scan3A_37 to %scan3A_39 step %scan3A_40 iter_args(%scan3A_59 = %broadcast_in_dim3A_11) -> (vector<16xi32>)  : i32 {
        %get3A = arith.index_cast %scan3A_58 : i32 to index
        %get3A_60 = arith.constant 0 : index
        %get3A_61 = tpu.vector_load %arg6[%get3A, %get3A_60] {strides = array<i32>} : memref<128x16xi32, #tpu.memory_space<vmem>>, vector<16xi32>,
        %mul3A_62 = arith.constant 16 : i32
        %mul3A_63 = vector.broadcast %mul3A_62 : i32 to vector<16xi32>
        %mul3A_64 = arith.muli %get3A_61, %mul3A_63 : vector<16xi32>
        %add3A_65 = arith.addi %mul3A_64, %iota3A : vector<16xi32>
        %gather3A = tpu.vector_load_idx %arg7[%add3A_65] : memref<4096xi32, #tpu.memory_space<vmem>>[vector<16xi32>], vector<16xi32>,
        %sub3A_66 = vector.broadcast %mul3A_36 : i32 to vector<16xi32>
        %sub3A_67 = arith.subi %gather3A, %sub3A_66 : vector<16xi32>
        %max3A = arith.constant 0 : i32
        %max3A_68 = vector.broadcast %max3A : i32 to vector<16xi32>
        %max3A_69 = arith.maxsi %sub3A_67, %max3A_68 : vector<16xi32>
        %add3A_70 = arith.constant 1 : i32
        %add3A_71 = vector.broadcast %add3A_70 : i32 to vector<16xi32>
        %add3A_72 = arith.addi %max3A_69, %add3A_71 : vector<16xi32>
        %add3A_73 = vector.broadcast %mul3A_36 : i32 to vector<16xi32>
        %add3A_74 = arith.addi %add3A_72, %add3A_73 : vector<16xi32>
        tpu.vector_store_idx %arg7[%add3A_65], %add3A_74 : memref<4096xi32, #tpu.memory_space<vmem>>[vector<16xi32>], vector<16xi32>,
        %mul3A_75 = arith.constant 256 : i32
        %mul3A_76 = vector.broadcast %mul3A_75 : i32 to vector<16xi32>
        %mul3A_77 = arith.muli %add3A_72, %mul3A_76 : vector<16xi32>
        %sub3A_78 = arith.constant 255 : i32
        %sub3A_79 = vector.broadcast %sub3A_78 : i32 to vector<16xi32>
        %sub3A_80 = arith.subi %sub3A_79, %get3A_61 : vector<16xi32>
        %add3A_81 = arith.addi %mul3A_77, %sub3A_80 : vector<16xi32>
        %max3A_82 = arith.maxsi %scan3A_59, %add3A_81 : vector<16xi32>
        scf.yield %max3A_82 : vector<16xi32>
      }
      %scan3A_42 = arith.constant 128 : i32
      %and3A_43 = arith.constant 255 : i32
      %and3A_44 = vector.broadcast %and3A_43 : i32 to vector<16xi32>
      %and3A_45 = arith.andi %scan3A_41, %and3A_44 : vector<16xi32>
      %sub3A = arith.constant 255 : i32
      %sub3A_46 = vector.broadcast %sub3A : i32 to vector<16xi32>
      %sub3A_47 = arith.subi %sub3A_46, %and3A_45 : vector<16xi32>
      %swap3A = arith.constant 0 : index
      %swap3A_48 = tpu.vector_load %arg8[%swap3A] {strides = array<i32>} : memref<16xi32, #tpu.memory_space<vmem>>, vector<16xi32>,
      tpu.vector_store %arg8[%swap3A], %sub3A_47 {strides = array<i32>} : memref<16xi32, #tpu.memory_space<vmem>>, vector<16xi32>,
      %convert_element_type3A_49 = arith.extui %ge3A_1 : i1 to i32
      %cond3A_50 = arith.constant 0 : i32
      %cond3A_51 = arith.cmpi ne, %convert_element_type3A_49, %cond3A_50 : i32
      scf.if %cond3A_51 {
        %mul3A_58 = arith.constant 16 : i32
        %mul3A_59 = arith.muli %add3A_29, %mul3A_58 : i32
        "tpu.region"() ({
          %run_scoped3A = tpu.sem_alloc : memref<!tpu.dma_semaphore, #tpu.memory_space<semaphore_mem>>
          %dma_start3A = tpu.memref_slice %arg5[%mul3A_59] : memref<1024xi32, #tpu.memory_space<hbm>> -> memref<16xi32, #tpu.memory_space<hbm>>
          %dma_start3A_60 = tpu.memref_slice %arg5[%mul3A_59] : memref<1024xi32, #tpu.memory_space<hbm>> -> memref<16xi32, #tpu.memory_space<hbm>>
          tpu.enqueue_dma source(%arg8 : memref<16xi32, #tpu.memory_space<vmem>>) target(%dma_start3A_60 : memref<16xi32, #tpu.memory_space<hbm>>) target_semaphore(%run_scoped3A : memref<!tpu.dma_semaphore, #tpu.memory_space<semaphore_mem>>)
          %dma_wait3A = tpu.memref_slice %arg5[%mul3A_59] : memref<1024xi32, #tpu.memory_space<hbm>> -> memref<16xi32, #tpu.memory_space<hbm>>
          %dma_wait3A_61 = tpu.memref_slice %arg5[%mul3A_59] : memref<1024xi32, #tpu.memory_space<hbm>> -> memref<16xi32, #tpu.memory_space<hbm>>
          tpu.wait_dma2 semaphore(%run_scoped3A : memref<!tpu.dma_semaphore, #tpu.memory_space<semaphore_mem>>) src(%arg8 : memref<16xi32, #tpu.memory_space<vmem>>) dst(%dma_wait3A_61 : memref<16xi32, #tpu.memory_space<hbm>>)
          tpu.yield
        }) : () -> ()
      } else {
      }
      %not3A_52 = arith.constant true
      %not3A_53 = arith.xori %ge3A_1, %not3A_52 : i1
      %convert_element_type3A_54 = arith.extui %not3A_53 : i1 to i32
      %cond3A_55 = arith.constant 0 : i32
      %cond3A_56 = arith.cmpi ne, %convert_element_type3A_54, %cond3A_55 : i32
      scf.if %cond3A_56 {
        %mul3A_58 = arith.constant 16 : i32
        %mul3A_59 = arith.muli %add3A_29, %mul3A_58 : i32
        "tpu.region"() ({
          %run_scoped3A = tpu.sem_alloc : memref<!tpu.dma_semaphore, #tpu.memory_space<semaphore_mem>>
          %dma_start3A = tpu.memref_slice %arg4[%mul3A_59] : memref<1024xi32, #tpu.memory_space<hbm>> -> memref<16xi32, #tpu.memory_space<hbm>>
          %dma_start3A_60 = tpu.memref_slice %arg4[%mul3A_59] : memref<1024xi32, #tpu.memory_space<hbm>> -> memref<16xi32, #tpu.memory_space<hbm>>
          tpu.enqueue_dma source(%arg8 : memref<16xi32, #tpu.memory_space<vmem>>) target(%dma_start3A_60 : memref<16xi32, #tpu.memory_space<hbm>>) target_semaphore(%run_scoped3A : memref<!tpu.dma_semaphore, #tpu.memory_space<semaphore_mem>>)
          %dma_wait3A = tpu.memref_slice %arg4[%mul3A_59] : memref<1024xi32, #tpu.memory_space<hbm>> -> memref<16xi32, #tpu.memory_space<hbm>>
          %dma_wait3A_61 = tpu.memref_slice %arg4[%mul3A_59] : memref<1024xi32, #tpu.memory_space<hbm>> -> memref<16xi32, #tpu.memory_space<hbm>>
          tpu.wait_dma2 semaphore(%run_scoped3A : memref<!tpu.dma_semaphore, #tpu.memory_space<semaphore_mem>>) src(%arg8 : memref<16xi32, #tpu.memory_space<vmem>>) dst(%dma_wait3A_61 : memref<16xi32, #tpu.memory_space<hbm>>)
          tpu.yield
        }) : () -> ()
      } else {
      }
      %scan3A_57 = arith.constant 0 : i32
      scf.yield %scan3A_57 : i32
    }
    %scan3A_24 = arith.constant 4 : i32
    return
  }
}

#map = affine_map<(d0, d1) -> (0, 0, 0)>
#map1 = affine_map<(d0, d1) -> (0)>
module attributes {stable_mosaic.version = 14 : i64} {
  func.func @_sc_mode_kernel(%arg0: i32, %arg1: i32, %arg2: memref<64x128x16xi32, #tpu.memory_space<hbm>>, %arg3: memref<64x128x16xi32, #tpu.memory_space<hbm>>, %arg4: memref<1024xi32, #tpu.memory_space<hbm>>, %arg5: memref<1024xi32, #tpu.memory_space<hbm>>, %arg6: memref<128x16xi32, #tpu.memory_space<vmem>>, %arg7: memref<4096xi32, #tpu.memory_space<vmem>>, %arg8: memref<16xi32, #tpu.memory_space<vmem>>) attributes {dimension_semantics = [#tpu.dimension_semantics<core_parallel>, #tpu.dimension_semantics<subcore_parallel>], iteration_bounds = array<i64: 2, 16>, scalar_prefetch = 0 : i64, scratch_operands = 3 : i64, tpu.core_type = #tpu.core_type<sc_vector_subcore>, window_params = [{transform_indices = #map}, {transform_indices = #map}, {transform_indices = #map1}, {transform_indices = #map1}]} {
    %mul3A = arith.constant 2 : i32
    %mul3A_0 = arith.muli %arg1, %mul3A : i32
    %add3A = arith.addi %mul3A_0, %arg0 : i32
    %ge3A = arith.constant 16 : i32
    %ge3A_1 = arith.cmpi sge, %add3A, %ge3A : i32
    %jit3A = arith.constant 16 : i32
    %eq3A = arith.constant 0 : i32
    %eq3A_2 = arith.cmpi eq, %jit3A, %eq3A : i32
    %jit3A_3 = arith.constant 1 : i32
    %select_n3A = arith.select %eq3A_2, %jit3A_3, %jit3A : i32
    %rem3A = arith.remsi %add3A, %select_n3A : i32
    %ne3A = arith.constant 0 : i32
    %ne3A_4 = arith.cmpi ne, %rem3A, %ne3A : i32
    %lt3A = arith.constant 0 : i32
    %lt3A_5 = arith.cmpi slt, %rem3A, %lt3A : i32
    %lt3A_6 = arith.constant 0 : i32
    %lt3A_7 = arith.cmpi slt, %select_n3A, %lt3A_6 : i32
    %ne3A_8 = arith.xori %lt3A_5, %lt3A_7 : i1
    %and3A = arith.andi %ne3A_8, %ne3A_4 : i1
    %add3A_9 = arith.addi %rem3A, %select_n3A : i32
    %select_n3A_10 = arith.select %and3A, %add3A_9, %rem3A : i32
    %iota3A = tpu.iota {dimensions = array<i32: 0>} : vector<16xi32>
    %broadcast_in_dim3A = arith.constant 0 : i32
    %broadcast_in_dim3A_11 = vector.broadcast %broadcast_in_dim3A : i32 to vector<16xi32>
    %scan3A = arith.constant 0 : i32
    %scan3A_12 = arith.constant 0 : i32
    %scan3A_13 = arith.constant 256 : i32
    %scan3A_14 = arith.addi %scan3A_12, %scan3A_13 : i32
    %scan3A_15 = arith.constant 1 : i32
    %scan3A_16 = scf.for %scan3A_25 = %scan3A_12 to %scan3A_14 step %scan3A_15 iter_args(%scan3A_26 = %scan3A) -> (i32)  : i32 {
      %mul3A_27 = arith.constant 16 : i32
      %mul3A_28 = arith.muli %scan3A_25, %mul3A_27 : i32
      %swap3A = arith.index_cast %mul3A_28 : i32 to index
      %swap3A_29 = tpu.vector_load %arg7[%swap3A] {strides = array<i32>} : memref<4096xi32, #tpu.memory_space<vmem>>, vector<16xi32>,
      tpu.vector_store %arg7[%swap3A], %broadcast_in_dim3A_11 {strides = array<i32>} : memref<4096xi32, #tpu.memory_space<vmem>>, vector<16xi32>,
      %scan3A_30 = arith.constant 0 : i32
      scf.yield %scan3A_30 : i32
    }
    %scan3A_17 = arith.constant 256 : i32
    %scan3A_18 = arith.constant 0 : i32
    %scan3A_19 = arith.constant 0 : i32
    %scan3A_20 = arith.constant 4 : i32
    %scan3A_21 = arith.addi %scan3A_19, %scan3A_20 : i32
    %scan3A_22 = arith.constant 1 : i32
    %scan3A_23 = scf.for %scan3A_25 = %scan3A_19 to %scan3A_21 step %scan3A_22 iter_args(%scan3A_26 = %scan3A_18) -> (i32)  : i32 {
      %mul3A_27 = arith.constant 4 : i32
      %mul3A_28 = arith.muli %select_n3A_10, %mul3A_27 : i32
      %add3A_29 = arith.addi %mul3A_28, %scan3A_25 : i32
      %convert_element_type3A = arith.extui %ge3A_1 : i1 to i32
      %cond3A = arith.constant 0 : i32
      %cond3A_30 = arith.cmpi ne, %convert_element_type3A, %cond3A : i32
      scf.if %cond3A_30 {
        "tpu.region"() ({
          %run_scoped3A = tpu.sem_alloc : memref<!tpu.dma_semaphore, #tpu.memory_space<semaphore_mem>>
          %dma_start3A = arith.constant 0 : i32
          %dma_start3A_58 = arith.constant 0 : i32
          %dma_start3A_59 = tpu.memref_slice %arg3[%add3A_29, %dma_start3A, %dma_start3A_58] : memref<64x128x16xi32, #tpu.memory_space<hbm>> -> memref<1x128x16xi32, #tpu.memory_space<hbm>>
          %dma_start3A_60 = tpu.memref_squeeze %dma_start3A_59 : memref<1x128x16xi32, #tpu.memory_space<hbm>> -> memref<128x16xi32, #tpu.memory_space<hbm>>
          %dma_start3A_61 = arith.constant 0 : i32
          %dma_start3A_62 = arith.constant 0 : i32
          %dma_start3A_63 = tpu.memref_slice %arg3[%add3A_29, %dma_start3A_61, %dma_start3A_62] : memref<64x128x16xi32, #tpu.memory_space<hbm>> -> memref<1x128x16xi32, #tpu.memory_space<hbm>>
          %dma_start3A_64 = tpu.memref_squeeze %dma_start3A_63 : memref<1x128x16xi32, #tpu.memory_space<hbm>> -> memref<128x16xi32, #tpu.memory_space<hbm>>
          tpu.enqueue_dma source(%dma_start3A_64 : memref<128x16xi32, #tpu.memory_space<hbm>>) target(%arg6 : memref<128x16xi32, #tpu.memory_space<vmem>>) target_semaphore(%run_scoped3A : memref<!tpu.dma_semaphore, #tpu.memory_space<semaphore_mem>>)
          %dma_wait3A = arith.constant 0 : i32
          %dma_wait3A_65 = arith.constant 0 : i32
          %dma_wait3A_66 = tpu.memref_slice %arg3[%add3A_29, %dma_wait3A, %dma_wait3A_65] : memref<64x128x16xi32, #tpu.memory_space<hbm>> -> memref<1x128x16xi32, #tpu.memory_space<hbm>>
          %dma_wait3A_67 = tpu.memref_squeeze %dma_wait3A_66 : memref<1x128x16xi32, #tpu.memory_space<hbm>> -> memref<128x16xi32, #tpu.memory_space<hbm>>
          %dma_wait3A_68 = arith.constant 0 : i32
          %dma_wait3A_69 = arith.constant 0 : i32
          %dma_wait3A_70 = tpu.memref_slice %arg3[%add3A_29, %dma_wait3A_68, %dma_wait3A_69] : memref<64x128x16xi32, #tpu.memory_space<hbm>> -> memref<1x128x16xi32, #tpu.memory_space<hbm>>
          %dma_wait3A_71 = tpu.memref_squeeze %dma_wait3A_70 : memref<1x128x16xi32, #tpu.memory_space<hbm>> -> memref<128x16xi32, #tpu.memory_space<hbm>>
          tpu.wait_dma2 semaphore(%run_scoped3A : memref<!tpu.dma_semaphore, #tpu.memory_space<semaphore_mem>>) src(%dma_wait3A_71 : memref<128x16xi32, #tpu.memory_space<hbm>>) dst(%arg6 : memref<128x16xi32, #tpu.memory_space<vmem>>)
          tpu.yield
        }) : () -> ()
      } else {
      }
      %not3A = arith.constant true
      %not3A_31 = arith.xori %ge3A_1, %not3A : i1
      %convert_element_type3A_32 = arith.extui %not3A_31 : i1 to i32
      %cond3A_33 = arith.constant 0 : i32
      %cond3A_34 = arith.cmpi ne, %convert_element_type3A_32, %cond3A_33 : i32
      scf.if %cond3A_34 {
        "tpu.region"() ({
          %run_scoped3A = tpu.sem_alloc : memref<!tpu.dma_semaphore, #tpu.memory_space<semaphore_mem>>
          %dma_start3A = arith.constant 0 : i32
          %dma_start3A_58 = arith.constant 0 : i32
          %dma_start3A_59 = tpu.memref_slice %arg2[%add3A_29, %dma_start3A, %dma_start3A_58] : memref<64x128x16xi32, #tpu.memory_space<hbm>> -> memref<1x128x16xi32, #tpu.memory_space<hbm>>
          %dma_start3A_60 = tpu.memref_squeeze %dma_start3A_59 : memref<1x128x16xi32, #tpu.memory_space<hbm>> -> memref<128x16xi32, #tpu.memory_space<hbm>>
          %dma_start3A_61 = arith.constant 0 : i32
          %dma_start3A_62 = arith.constant 0 : i32
          %dma_start3A_63 = tpu.memref_slice %arg2[%add3A_29, %dma_start3A_61, %dma_start3A_62] : memref<64x128x16xi32, #tpu.memory_space<hbm>> -> memref<1x128x16xi32, #tpu.memory_space<hbm>>
          %dma_start3A_64 = tpu.memref_squeeze %dma_start3A_63 : memref<1x128x16xi32, #tpu.memory_space<hbm>> -> memref<128x16xi32, #tpu.memory_space<hbm>>
          tpu.enqueue_dma source(%dma_start3A_64 : memref<128x16xi32, #tpu.memory_space<hbm>>) target(%arg6 : memref<128x16xi32, #tpu.memory_space<vmem>>) target_semaphore(%run_scoped3A : memref<!tpu.dma_semaphore, #tpu.memory_space<semaphore_mem>>)
          %dma_wait3A = arith.constant 0 : i32
          %dma_wait3A_65 = arith.constant 0 : i32
          %dma_wait3A_66 = tpu.memref_slice %arg2[%add3A_29, %dma_wait3A, %dma_wait3A_65] : memref<64x128x16xi32, #tpu.memory_space<hbm>> -> memref<1x128x16xi32, #tpu.memory_space<hbm>>
          %dma_wait3A_67 = tpu.memref_squeeze %dma_wait3A_66 : memref<1x128x16xi32, #tpu.memory_space<hbm>> -> memref<128x16xi32, #tpu.memory_space<hbm>>
          %dma_wait3A_68 = arith.constant 0 : i32
          %dma_wait3A_69 = arith.constant 0 : i32
          %dma_wait3A_70 = tpu.memref_slice %arg2[%add3A_29, %dma_wait3A_68, %dma_wait3A_69] : memref<64x128x16xi32, #tpu.memory_space<hbm>> -> memref<1x128x16xi32, #tpu.memory_space<hbm>>
          %dma_wait3A_71 = tpu.memref_squeeze %dma_wait3A_70 : memref<1x128x16xi32, #tpu.memory_space<hbm>> -> memref<128x16xi32, #tpu.memory_space<hbm>>
          tpu.wait_dma2 semaphore(%run_scoped3A : memref<!tpu.dma_semaphore, #tpu.memory_space<semaphore_mem>>) src(%dma_wait3A_71 : memref<128x16xi32, #tpu.memory_space<hbm>>) dst(%arg6 : memref<128x16xi32, #tpu.memory_space<vmem>>)
          tpu.yield
        }) : () -> ()
      } else {
      }
      %mul3A_35 = arith.constant 256 : i32
      %mul3A_36 = arith.muli %scan3A_25, %mul3A_35 : i32
      %scan3A_37 = arith.constant 0 : i32
      %scan3A_38 = arith.constant 128 : i32
      %scan3A_39 = arith.addi %scan3A_37, %scan3A_38 : i32
      %scan3A_40 = arith.constant 1 : i32
      %scan3A_41 = scf.for %scan3A_58 = %scan3A_37 to %scan3A_39 step %scan3A_40 iter_args(%scan3A_59 = %broadcast_in_dim3A_11) -> (vector<16xi32>)  : i32 {
        %get3A = arith.index_cast %scan3A_58 : i32 to index
        %get3A_60 = arith.constant 0 : index
        %get3A_61 = tpu.vector_load %arg6[%get3A, %get3A_60] {strides = array<i32>} : memref<128x16xi32, #tpu.memory_space<vmem>>, vector<16xi32>,
        %mul3A_62 = arith.constant 16 : i32
        %mul3A_63 = vector.broadcast %mul3A_62 : i32 to vector<16xi32>
        %mul3A_64 = arith.muli %get3A_61, %mul3A_63 : vector<16xi32>
        %add3A_65 = arith.addi %mul3A_64, %iota3A : vector<16xi32>
        %gather3A = tpu.vector_load_idx %arg7[%add3A_65] : memref<4096xi32, #tpu.memory_space<vmem>>[vector<16xi32>], vector<16xi32>,
        %sub3A_66 = vector.broadcast %mul3A_36 : i32 to vector<16xi32>
        %sub3A_67 = arith.subi %gather3A, %sub3A_66 : vector<16xi32>
        %max3A = arith.constant 0 : i32
        %max3A_68 = vector.broadcast %max3A : i32 to vector<16xi32>
        %max3A_69 = arith.maxsi %sub3A_67, %max3A_68 : vector<16xi32>
        %add3A_70 = arith.constant 1 : i32
        %add3A_71 = vector.broadcast %add3A_70 : i32 to vector<16xi32>
        %add3A_72 = arith.addi %max3A_69, %add3A_71 : vector<16xi32>
        %add3A_73 = vector.broadcast %mul3A_36 : i32 to vector<16xi32>
        %add3A_74 = arith.addi %add3A_72, %add3A_73 : vector<16xi32>
        tpu.vector_store_idx %arg7[%add3A_65], %add3A_74 : memref<4096xi32, #tpu.memory_space<vmem>>[vector<16xi32>], vector<16xi32>,
        %mul3A_75 = arith.constant 256 : i32
        %mul3A_76 = vector.broadcast %mul3A_75 : i32 to vector<16xi32>
        %mul3A_77 = arith.muli %add3A_72, %mul3A_76 : vector<16xi32>
        %sub3A_78 = arith.constant 255 : i32
        %sub3A_79 = vector.broadcast %sub3A_78 : i32 to vector<16xi32>
        %sub3A_80 = arith.subi %sub3A_79, %get3A_61 : vector<16xi32>
        %add3A_81 = arith.addi %mul3A_77, %sub3A_80 : vector<16xi32>
        %max3A_82 = arith.maxsi %scan3A_59, %add3A_81 : vector<16xi32>
        scf.yield %max3A_82 : vector<16xi32>
      }
      %scan3A_42 = arith.constant 128 : i32
      %and3A_43 = arith.constant 255 : i32
      %and3A_44 = vector.broadcast %and3A_43 : i32 to vector<16xi32>
      %and3A_45 = arith.andi %scan3A_41, %and3A_44 : vector<16xi32>
      %sub3A = arith.constant 255 : i32
      %sub3A_46 = vector.broadcast %sub3A : i32 to vector<16xi32>
      %sub3A_47 = arith.subi %sub3A_46, %and3A_45 : vector<16xi32>
      %swap3A = arith.constant 0 : index
      %swap3A_48 = tpu.vector_load %arg8[%swap3A] {strides = array<i32>} : memref<16xi32, #tpu.memory_space<vmem>>, vector<16xi32>,
      tpu.vector_store %arg8[%swap3A], %sub3A_47 {strides = array<i32>} : memref<16xi32, #tpu.memory_space<vmem>>, vector<16xi32>,
      %convert_element_type3A_49 = arith.extui %ge3A_1 : i1 to i32
      %cond3A_50 = arith.constant 0 : i32
      %cond3A_51 = arith.cmpi ne, %convert_element_type3A_49, %cond3A_50 : i32
      scf.if %cond3A_51 {
        %mul3A_58 = arith.constant 16 : i32
        %mul3A_59 = arith.muli %add3A_29, %mul3A_58 : i32
        "tpu.region"() ({
          %run_scoped3A = tpu.sem_alloc : memref<!tpu.dma_semaphore, #tpu.memory_space<semaphore_mem>>
          %dma_start3A = tpu.memref_slice %arg5[%mul3A_59] : memref<1024xi32, #tpu.memory_space<hbm>> -> memref<16xi32, #tpu.memory_space<hbm>>
          %dma_start3A_60 = tpu.memref_slice %arg5[%mul3A_59] : memref<1024xi32, #tpu.memory_space<hbm>> -> memref<16xi32, #tpu.memory_space<hbm>>
          tpu.enqueue_dma source(%arg8 : memref<16xi32, #tpu.memory_space<vmem>>) target(%dma_start3A_60 : memref<16xi32, #tpu.memory_space<hbm>>) target_semaphore(%run_scoped3A : memref<!tpu.dma_semaphore, #tpu.memory_space<semaphore_mem>>)
          %dma_wait3A = tpu.memref_slice %arg5[%mul3A_59] : memref<1024xi32, #tpu.memory_space<hbm>> -> memref<16xi32, #tpu.memory_space<hbm>>
          %dma_wait3A_61 = tpu.memref_slice %arg5[%mul3A_59] : memref<1024xi32, #tpu.memory_space<hbm>> -> memref<16xi32, #tpu.memory_space<hbm>>
          tpu.wait_dma2 semaphore(%run_scoped3A : memref<!tpu.dma_semaphore, #tpu.memory_space<semaphore_mem>>) src(%arg8 : memref<16xi32, #tpu.memory_space<vmem>>) dst(%dma_wait3A_61 : memref<16xi32, #tpu.memory_space<hbm>>)
          tpu.yield
        }) : () -> ()
      } else {
      }
      %not3A_52 = arith.constant true
      %not3A_53 = arith.xori %ge3A_1, %not3A_52 : i1
      %convert_element_type3A_54 = arith.extui %not3A_53 : i1 to i32
      %cond3A_55 = arith.constant 0 : i32
      %cond3A_56 = arith.cmpi ne, %convert_element_type3A_54, %cond3A_55 : i32
      scf.if %cond3A_56 {
        %mul3A_58 = arith.constant 16 : i32
        %mul3A_59 = arith.muli %add3A_29, %mul3A_58 : i32
        "tpu.region"() ({
          %run_scoped3A = tpu.sem_alloc : memref<!tpu.dma_semaphore, #tpu.memory_space<semaphore_mem>>
          %dma_start3A = tpu.memref_slice %arg4[%mul3A_59] : memref<1024xi32, #tpu.memory_space<hbm>> -> memref<16xi32, #tpu.memory_space<hbm>>
          %dma_start3A_60 = tpu.memref_slice %arg4[%mul3A_59] : memref<1024xi32, #tpu.memory_space<hbm>> -> memref<16xi32, #tpu.memory_space<hbm>>
          tpu.enqueue_dma source(%arg8 : memref<16xi32, #tpu.memory_space<vmem>>) target(%dma_start3A_60 : memref<16xi32, #tpu.memory_space<hbm>>) target_semaphore(%run_scoped3A : memref<!tpu.dma_semaphore, #tpu.memory_space<semaphore_mem>>)
          %dma_wait3A = tpu.memref_slice %arg4[%mul3A_59] : memref<1024xi32, #tpu.memory_space<hbm>> -> memref<16xi32, #tpu.memory_space<hbm>>
          %dma_wait3A_61 = tpu.memref_slice %arg4[%mul3A_59] : memref<1024xi32, #tpu.memory_space<hbm>> -> memref<16xi32, #tpu.memory_space<hbm>>
          tpu.wait_dma2 semaphore(%run_scoped3A : memref<!tpu.dma_semaphore, #tpu.memory_space<semaphore_mem>>) src(%arg8 : memref<16xi32, #tpu.memory_space<vmem>>) dst(%dma_wait3A_61 : memref<16xi32, #tpu.memory_space<hbm>>)
          tpu.yield
        }) : () -> ()
      } else {
      }
      %scan3A_57 = arith.constant 0 : i32
      scf.yield %scan3A_57 : i32
    }
    %scan3A_24 = arith.constant 4 : i32
    return
  }
}

module attributes {stable_mosaic.version = 14 : i64} {
  func.func @_scan_kernel(%arg0: i32, %arg1: memref<128x128xf32, #tpu.memory_space<vmem>>, %arg2: memref<256x128xf32, #tpu.memory_space<vmem>>, %arg3: memref<8x128x16xi32, #tpu.memory_space<vmem>>, %arg4: memref<8x128x16xi32, #tpu.memory_space<vmem>>) attributes {dimension_semantics = [#tpu.dimension_semantics<arbitrary>], iteration_bounds = array<i64: 8>, scalar_prefetch = 0 : i64, scratch_operands = 0 : i64, tpu.core_type = #tpu.core_type<tc>, window_params = [{transform_indices = @transform_0, window_bounds = array<i64: 128, 128>}, {pipeline_mode = #tpu.pipeline_mode<synchronous>, transform_indices = @transform_1, window_bounds = array<i64: 256, 128>}, {transform_indices = @transform_2, window_bounds = array<i64: 8, 128, 16>}, {transform_indices = @transform_3, window_bounds = array<i64: 8, 128, 16>}]} {
    %get3A = arith.constant 0 : index
    %get3A_0 = arith.constant 0 : index
    %get3A_1 = vector.load %arg1[%get3A, %get3A_0] : memref<128x128xf32, #tpu.memory_space<vmem>>, vector<128x128xf32>
    %broadcast_in_dim3A = arith.constant 0x7F800000 : f32
    %broadcast_in_dim3A_2 = vector.broadcast %broadcast_in_dim3A : f32 to vector<128x128xf32>
    %broadcast_in_dim3A_3 = arith.constant 0x7F800000 : f32
    %broadcast_in_dim3A_4 = vector.broadcast %broadcast_in_dim3A_3 : f32 to vector<128x128xf32>
    %broadcast_in_dim3A_5 = arith.constant 0 : i32
    %broadcast_in_dim3A_6 = vector.broadcast %broadcast_in_dim3A_5 : i32 to vector<128x128xi32>
    %broadcast_in_dim3A_7 = arith.constant 0 : i32
    %broadcast_in_dim3A_8 = vector.broadcast %broadcast_in_dim3A_7 : i32 to vector<128x128xi32>
    %scan3A = arith.constant 0 : i32
    %scan3A_9 = arith.constant 256 : i32
    %scan3A_10 = arith.addi %scan3A, %scan3A_9 : i32
    %scan3A_11 = arith.constant 32 : i32
    %scan3A_12:4 = scf.for %scan3A_23 = %scan3A to %scan3A_10 step %scan3A_11 iter_args(%scan3A_24 = %broadcast_in_dim3A_2, %scan3A_25 = %broadcast_in_dim3A_6, %scan3A_26 = %broadcast_in_dim3A_4, %scan3A_27 = %broadcast_in_dim3A_8) -> (vector<128x128xf32>, vector<128x128xi32>, vector<128x128xf32>, vector<128x128xi32>)  : i32 {
      %sub3A = arith.constant 255 : i32
      %sub3A_28 = arith.subi %sub3A, %scan3A_23 : i32
      %get3A_29 = arith.index_cast %sub3A_28 : i32 to index
      %get3A_30 = arith.constant 0 : index
      %get3A_31 = vector.load %arg2[%get3A_29, %get3A_30] : memref<256x128xf32, #tpu.memory_space<vmem>>, vector<1x128xf32>
      %sub3A_32 = vector.broadcast %get3A_31 : vector<1x128xf32> to vector<128x128xf32>
      %sub3A_33 = arith.subf %get3A_1, %sub3A_32 : vector<128x128xf32>
      %mul3A = arith.mulf %sub3A_33, %sub3A_33 : vector<128x128xf32>
      %le3A = arith.cmpf ole, %mul3A, %scan3A_24 : vector<128x128xf32>
      %le3A_34 = arith.cmpf ole, %mul3A, %scan3A_26 : vector<128x128xf32>
      %max3A = arith.maximumf %mul3A, %scan3A_24 : vector<128x128xf32>
      %min3A = arith.minimumf %scan3A_26, %max3A : vector<128x128xf32>
      %broadcast_in_dim3A_35 = vector.broadcast %sub3A_28 : i32 to vector<128x128xi32>
      %select_n3A = arith.select %le3A_34, %broadcast_in_dim3A_35, %scan3A_27 : vector<128x128xi1>, vector<128x128xi32>
      %select_n3A_36 = arith.select %le3A, %scan3A_25, %select_n3A : vector<128x128xi1>, vector<128x128xi32>
      %min3A_37 = arith.minimumf %scan3A_24, %mul3A : vector<128x128xf32>
      %broadcast_in_dim3A_38 = vector.broadcast %sub3A_28 : i32 to vector<128x128xi32>
      %select_n3A_39 = arith.select %le3A, %broadcast_in_dim3A_38, %scan3A_25 : vector<128x128xi1>, vector<128x128xi32>
      %scan3A_40 = arith.constant 1 : i32
      %scan3A_41 = arith.addi %scan3A_23, %scan3A_40 : i32
      %sub3A_42 = arith.constant 255 : i32
      %sub3A_43 = arith.subi %sub3A_42, %scan3A_41 : i32
      %get3A_44 = arith.index_cast %sub3A_43 : i32 to index
      %get3A_45 = arith.constant 0 : index
      %get3A_46 = vector.load %arg2[%get3A_44, %get3A_45] : memref<256x128xf32, #tpu.memory_space<vmem>>, vector<1x128xf32>
      %sub3A_47 = vector.broadcast %get3A_46 : vector<1x128xf32> to vector<128x128xf32>
      %sub3A_48 = arith.subf %get3A_1, %sub3A_47 : vector<128x128xf32>
      %mul3A_49 = arith.mulf %sub3A_48, %sub3A_48 : vector<128x128xf32>
      %le3A_50 = arith.cmpf ole, %mul3A_49, %min3A_37 : vector<128x128xf32>
      %le3A_51 = arith.cmpf ole, %mul3A_49, %min3A : vector<128x128xf32>
      %max3A_52 = arith.maximumf %mul3A_49, %min3A_37 : vector<128x128xf32>
      %min3A_53 = arith.minimumf %min3A, %max3A_52 : vector<128x128xf32>
      %broadcast_in_dim3A_54 = vector.broadcast %sub3A_43 : i32 to vector<128x128xi32>
      %select_n3A_55 = arith.select %le3A_51, %broadcast_in_dim3A_54, %select_n3A_36 : vector<128x128xi1>, vector<128x128xi32>
      %select_n3A_56 = arith.select %le3A_50, %select_n3A_39, %select_n3A_55 : vector<128x128xi1>, vector<128x128xi32>
      %min3A_57 = arith.minimumf %min3A_37, %mul3A_49 : vector<128x128xf32>
      %broadcast_in_dim3A_58 = vector.broadcast %sub3A_43 : i32 to vector<128x128xi32>
      %select_n3A_59 = arith.select %le3A_50, %broadcast_in_dim3A_58, %select_n3A_39 : vector<128x128xi1>, vector<128x128xi32>
      %scan3A_60 = arith.constant 2 : i32
      %scan3A_61 = arith.addi %scan3A_23, %scan3A_60 : i32
      %sub3A_62 = arith.constant 255 : i32
      %sub3A_63 = arith.subi %sub3A_62, %scan3A_61 : i32
      %get3A_64 = arith.index_cast %sub3A_63 : i32 to index
      %get3A_65 = arith.constant 0 : index
      %get3A_66 = vector.load %arg2[%get3A_64, %get3A_65] : memref<256x128xf32, #tpu.memory_space<vmem>>, vector<1x128xf32>
      %sub3A_67 = vector.broadcast %get3A_66 : vector<1x128xf32> to vector<128x128xf32>
      %sub3A_68 = arith.subf %get3A_1, %sub3A_67 : vector<128x128xf32>
      %mul3A_69 = arith.mulf %sub3A_68, %sub3A_68 : vector<128x128xf32>
      %le3A_70 = arith.cmpf ole, %mul3A_69, %min3A_57 : vector<128x128xf32>
      %le3A_71 = arith.cmpf ole, %mul3A_69, %min3A_53 : vector<128x128xf32>
      %max3A_72 = arith.maximumf %mul3A_69, %min3A_57 : vector<128x128xf32>
      %min3A_73 = arith.minimumf %min3A_53, %max3A_72 : vector<128x128xf32>
      %broadcast_in_dim3A_74 = vector.broadcast %sub3A_63 : i32 to vector<128x128xi32>
      %select_n3A_75 = arith.select %le3A_71, %broadcast_in_dim3A_74, %select_n3A_56 : vector<128x128xi1>, vector<128x128xi32>
      %select_n3A_76 = arith.select %le3A_70, %select_n3A_59, %select_n3A_75 : vector<128x128xi1>, vector<128x128xi32>
      %min3A_77 = arith.minimumf %min3A_57, %mul3A_69 : vector<128x128xf32>
      %broadcast_in_dim3A_78 = vector.broadcast %sub3A_63 : i32 to vector<128x128xi32>
      %select_n3A_79 = arith.select %le3A_70, %broadcast_in_dim3A_78, %select_n3A_59 : vector<128x128xi1>, vector<128x128xi32>
      %scan3A_80 = arith.constant 3 : i32
      %scan3A_81 = arith.addi %scan3A_23, %scan3A_80 : i32
      %sub3A_82 = arith.constant 255 : i32
      %sub3A_83 = arith.subi %sub3A_82, %scan3A_81 : i32
      %get3A_84 = arith.index_cast %sub3A_83 : i32 to index
      %get3A_85 = arith.constant 0 : index
      %get3A_86 = vector.load %arg2[%get3A_84, %get3A_85] : memref<256x128xf32, #tpu.memory_space<vmem>>, vector<1x128xf32>
      %sub3A_87 = vector.broadcast %get3A_86 : vector<1x128xf32> to vector<128x128xf32>
      %sub3A_88 = arith.subf %get3A_1, %sub3A_87 : vector<128x128xf32>
      %mul3A_89 = arith.mulf %sub3A_88, %sub3A_88 : vector<128x128xf32>
      %le3A_90 = arith.cmpf ole, %mul3A_89, %min3A_77 : vector<128x128xf32>
      %le3A_91 = arith.cmpf ole, %mul3A_89, %min3A_73 : vector<128x128xf32>
      %max3A_92 = arith.maximumf %mul3A_89, %min3A_77 : vector<128x128xf32>
      %min3A_93 = arith.minimumf %min3A_73, %max3A_92 : vector<128x128xf32>
      %broadcast_in_dim3A_94 = vector.broadcast %sub3A_83 : i32 to vector<128x128xi32>
      %select_n3A_95 = arith.select %le3A_91, %broadcast_in_dim3A_94, %select_n3A_76 : vector<128x128xi1>, vector<128x128xi32>
      %select_n3A_96 = arith.select %le3A_90, %select_n3A_79, %select_n3A_95 : vector<128x128xi1>, vector<128x128xi32>
      %min3A_97 = arith.minimumf %min3A_77, %mul3A_89 : vector<128x128xf32>
      %broadcast_in_dim3A_98 = vector.broadcast %sub3A_83 : i32 to vector<128x128xi32>
      %select_n3A_99 = arith.select %le3A_90, %broadcast_in_dim3A_98, %select_n3A_79 : vector<128x128xi1>, vector<128x128xi32>
      %scan3A_100 = arith.constant 4 : i32
      %scan3A_101 = arith.addi %scan3A_23, %scan3A_100 : i32
      %sub3A_102 = arith.constant 255 : i32
      %sub3A_103 = arith.subi %sub3A_102, %scan3A_101 : i32
      %get3A_104 = arith.index_cast %sub3A_103 : i32 to index
      %get3A_105 = arith.constant 0 : index
      %get3A_106 = vector.load %arg2[%get3A_104, %get3A_105] : memref<256x128xf32, #tpu.memory_space<vmem>>, vector<1x128xf32>
      %sub3A_107 = vector.broadcast %get3A_106 : vector<1x128xf32> to vector<128x128xf32>
      %sub3A_108 = arith.subf %get3A_1, %sub3A_107 : vector<128x128xf32>
      %mul3A_109 = arith.mulf %sub3A_108, %sub3A_108 : vector<128x128xf32>
      %le3A_110 = arith.cmpf ole, %mul3A_109, %min3A_97 : vector<128x128xf32>
      %le3A_111 = arith.cmpf ole, %mul3A_109, %min3A_93 : vector<128x128xf32>
      %max3A_112 = arith.maximumf %mul3A_109, %min3A_97 : vector<128x128xf32>
      %min3A_113 = arith.minimumf %min3A_93, %max3A_112 : vector<128x128xf32>
      %broadcast_in_dim3A_114 = vector.broadcast %sub3A_103 : i32 to vector<128x128xi32>
      %select_n3A_115 = arith.select %le3A_111, %broadcast_in_dim3A_114, %select_n3A_96 : vector<128x128xi1>, vector<128x128xi32>
      %select_n3A_116 = arith.select %le3A_110, %select_n3A_99, %select_n3A_115 : vector<128x128xi1>, vector<128x128xi32>
      %min3A_117 = arith.minimumf %min3A_97, %mul3A_109 : vector<128x128xf32>
      %broadcast_in_dim3A_118 = vector.broadcast %sub3A_103 : i32 to vector<128x128xi32>
      %select_n3A_119 = arith.select %le3A_110, %broadcast_in_dim3A_118, %select_n3A_99 : vector<128x128xi1>, vector<128x128xi32>
      %scan3A_120 = arith.constant 5 : i32
      %scan3A_121 = arith.addi %scan3A_23, %scan3A_120 : i32
      %sub3A_122 = arith.constant 255 : i32
      %sub3A_123 = arith.subi %sub3A_122, %scan3A_121 : i32
      %get3A_124 = arith.index_cast %sub3A_123 : i32 to index
      %get3A_125 = arith.constant 0 : index
      %get3A_126 = vector.load %arg2[%get3A_124, %get3A_125] : memref<256x128xf32, #tpu.memory_space<vmem>>, vector<1x128xf32>
      %sub3A_127 = vector.broadcast %get3A_126 : vector<1x128xf32> to vector<128x128xf32>
      %sub3A_128 = arith.subf %get3A_1, %sub3A_127 : vector<128x128xf32>
      %mul3A_129 = arith.mulf %sub3A_128, %sub3A_128 : vector<128x128xf32>
      %le3A_130 = arith.cmpf ole, %mul3A_129, %min3A_117 : vector<128x128xf32>
      %le3A_131 = arith.cmpf ole, %mul3A_129, %min3A_113 : vector<128x128xf32>
      %max3A_132 = arith.maximumf %mul3A_129, %min3A_117 : vector<128x128xf32>
      %min3A_133 = arith.minimumf %min3A_113, %max3A_132 : vector<128x128xf32>
      %broadcast_in_dim3A_134 = vector.broadcast %sub3A_123 : i32 to vector<128x128xi32>
      %select_n3A_135 = arith.select %le3A_131, %broadcast_in_dim3A_134, %select_n3A_116 : vector<128x128xi1>, vector<128x128xi32>
      %select_n3A_136 = arith.select %le3A_130, %select_n3A_119, %select_n3A_135 : vector<128x128xi1>, vector<128x128xi32>
      %min3A_137 = arith.minimumf %min3A_117, %mul3A_129 : vector<128x128xf32>
      %broadcast_in_dim3A_138 = vector.broadcast %sub3A_123 : i32 to vector<128x128xi32>
      %select_n3A_139 = arith.select %le3A_130, %broadcast_in_dim3A_138, %select_n3A_119 : vector<128x128xi1>, vector<128x128xi32>
      %scan3A_140 = arith.constant 6 : i32
      %scan3A_141 = arith.addi %scan3A_23, %scan3A_140 : i32
      %sub3A_142 = arith.constant 255 : i32
      %sub3A_143 = arith.subi %sub3A_142, %scan3A_141 : i32
      %get3A_144 = arith.index_cast %sub3A_143 : i32 to index
      %get3A_145 = arith.constant 0 : index
      %get3A_146 = vector.load %arg2[%get3A_144, %get3A_145] : memref<256x128xf32, #tpu.memory_space<vmem>>, vector<1x128xf32>
      %sub3A_147 = vector.broadcast %get3A_146 : vector<1x128xf32> to vector<128x128xf32>
      %sub3A_148 = arith.subf %get3A_1, %sub3A_147 : vector<128x128xf32>
      %mul3A_149 = arith.mulf %sub3A_148, %sub3A_148 : vector<128x128xf32>
      %le3A_150 = arith.cmpf ole, %mul3A_149, %min3A_137 : vector<128x128xf32>
      %le3A_151 = arith.cmpf ole, %mul3A_149, %min3A_133 : vector<128x128xf32>
      %max3A_152 = arith.maximumf %mul3A_149, %min3A_137 : vector<128x128xf32>
      %min3A_153 = arith.minimumf %min3A_133, %max3A_152 : vector<128x128xf32>
      %broadcast_in_dim3A_154 = vector.broadcast %sub3A_143 : i32 to vector<128x128xi32>
      %select_n3A_155 = arith.select %le3A_151, %broadcast_in_dim3A_154, %select_n3A_136 : vector<128x128xi1>, vector<128x128xi32>
      %select_n3A_156 = arith.select %le3A_150, %select_n3A_139, %select_n3A_155 : vector<128x128xi1>, vector<128x128xi32>
      %min3A_157 = arith.minimumf %min3A_137, %mul3A_149 : vector<128x128xf32>
      %broadcast_in_dim3A_158 = vector.broadcast %sub3A_143 : i32 to vector<128x128xi32>
      %select_n3A_159 = arith.select %le3A_150, %broadcast_in_dim3A_158, %select_n3A_139 : vector<128x128xi1>, vector<128x128xi32>
      %scan3A_160 = arith.constant 7 : i32
      %scan3A_161 = arith.addi %scan3A_23, %scan3A_160 : i32
      %sub3A_162 = arith.constant 255 : i32
      %sub3A_163 = arith.subi %sub3A_162, %scan3A_161 : i32
      %get3A_164 = arith.index_cast %sub3A_163 : i32 to index
      %get3A_165 = arith.constant 0 : index
      %get3A_166 = vector.load %arg2[%get3A_164, %get3A_165] : memref<256x128xf32, #tpu.memory_space<vmem>>, vector<1x128xf32>
      %sub3A_167 = vector.broadcast %get3A_166 : vector<1x128xf32> to vector<128x128xf32>
      %sub3A_168 = arith.subf %get3A_1, %sub3A_167 : vector<128x128xf32>
      %mul3A_169 = arith.mulf %sub3A_168, %sub3A_168 : vector<128x128xf32>
      %le3A_170 = arith.cmpf ole, %mul3A_169, %min3A_157 : vector<128x128xf32>
      %le3A_171 = arith.cmpf ole, %mul3A_169, %min3A_153 : vector<128x128xf32>
      %max3A_172 = arith.maximumf %mul3A_169, %min3A_157 : vector<128x128xf32>
      %min3A_173 = arith.minimumf %min3A_153, %max3A_172 : vector<128x128xf32>
      %broadcast_in_dim3A_174 = vector.broadcast %sub3A_163 : i32 to vector<128x128xi32>
      %select_n3A_175 = arith.select %le3A_171, %broadcast_in_dim3A_174, %select_n3A_156 : vector<128x128xi1>, vector<128x128xi32>
      %select_n3A_176 = arith.select %le3A_170, %select_n3A_159, %select_n3A_175 : vector<128x128xi1>, vector<128x128xi32>
      %min3A_177 = arith.minimumf %min3A_157, %mul3A_169 : vector<128x128xf32>
      %broadcast_in_dim3A_178 = vector.broadcast %sub3A_163 : i32 to vector<128x128xi32>
      %select_n3A_179 = arith.select %le3A_170, %broadcast_in_dim3A_178, %select_n3A_159 : vector<128x128xi1>, vector<128x128xi32>
      %scan3A_180 = arith.constant 8 : i32
      %scan3A_181 = arith.addi %scan3A_23, %scan3A_180 : i32
      %sub3A_182 = arith.constant 255 : i32
      %sub3A_183 = arith.subi %sub3A_182, %scan3A_181 : i32
      %get3A_184 = arith.index_cast %sub3A_183 : i32 to index
      %get3A_185 = arith.constant 0 : index
      %get3A_186 = vector.load %arg2[%get3A_184, %get3A_185] : memref<256x128xf32, #tpu.memory_space<vmem>>, vector<1x128xf32>
      %sub3A_187 = vector.broadcast %get3A_186 : vector<1x128xf32> to vector<128x128xf32>
      %sub3A_188 = arith.subf %get3A_1, %sub3A_187 : vector<128x128xf32>
      %mul3A_189 = arith.mulf %sub3A_188, %sub3A_188 : vector<128x128xf32>
      %le3A_190 = arith.cmpf ole, %mul3A_189, %min3A_177 : vector<128x128xf32>
      %le3A_191 = arith.cmpf ole, %mul3A_189, %min3A_173 : vector<128x128xf32>
      %max3A_192 = arith.maximumf %mul3A_189, %min3A_177 : vector<128x128xf32>
      %min3A_193 = arith.minimumf %min3A_173, %max3A_192 : vector<128x128xf32>
      %broadcast_in_dim3A_194 = vector.broadcast %sub3A_183 : i32 to vector<128x128xi32>
      %select_n3A_195 = arith.select %le3A_191, %broadcast_in_dim3A_194, %select_n3A_176 : vector<128x128xi1>, vector<128x128xi32>
      %select_n3A_196 = arith.select %le3A_190, %select_n3A_179, %select_n3A_195 : vector<128x128xi1>, vector<128x128xi32>
      %min3A_197 = arith.minimumf %min3A_177, %mul3A_189 : vector<128x128xf32>
      %broadcast_in_dim3A_198 = vector.broadcast %sub3A_183 : i32 to vector<128x128xi32>
      %select_n3A_199 = arith.select %le3A_190, %broadcast_in_dim3A_198, %select_n3A_179 : vector<128x128xi1>, vector<128x128xi32>
      %scan3A_200 = arith.constant 9 : i32
      %scan3A_201 = arith.addi %scan3A_23, %scan3A_200 : i32
      %sub3A_202 = arith.constant 255 : i32
      %sub3A_203 = arith.subi %sub3A_202, %scan3A_201 : i32
      %get3A_204 = arith.index_cast %sub3A_203 : i32 to index
      %get3A_205 = arith.constant 0 : index
      %get3A_206 = vector.load %arg2[%get3A_204, %get3A_205] : memref<256x128xf32, #tpu.memory_space<vmem>>, vector<1x128xf32>
      %sub3A_207 = vector.broadcast %get3A_206 : vector<1x128xf32> to vector<128x128xf32>
      %sub3A_208 = arith.subf %get3A_1, %sub3A_207 : vector<128x128xf32>
      %mul3A_209 = arith.mulf %sub3A_208, %sub3A_208 : vector<128x128xf32>
      %le3A_210 = arith.cmpf ole, %mul3A_209, %min3A_197 : vector<128x128xf32>
      %le3A_211 = arith.cmpf ole, %mul3A_209, %min3A_193 : vector<128x128xf32>
      %max3A_212 = arith.maximumf %mul3A_209, %min3A_197 : vector<128x128xf32>
      %min3A_213 = arith.minimumf %min3A_193, %max3A_212 : vector<128x128xf32>
      %broadcast_in_dim3A_214 = vector.broadcast %sub3A_203 : i32 to vector<128x128xi32>
      %select_n3A_215 = arith.select %le3A_211, %broadcast_in_dim3A_214, %select_n3A_196 : vector<128x128xi1>, vector<128x128xi32>
      %select_n3A_216 = arith.select %le3A_210, %select_n3A_199, %select_n3A_215 : vector<128x128xi1>, vector<128x128xi32>
      %min3A_217 = arith.minimumf %min3A_197, %mul3A_209 : vector<128x128xf32>
      %broadcast_in_dim3A_218 = vector.broadcast %sub3A_203 : i32 to vector<128x128xi32>
      %select_n3A_219 = arith.select %le3A_210, %broadcast_in_dim3A_218, %select_n3A_199 : vector<128x128xi1>, vector<128x128xi32>
      %scan3A_220 = arith.constant 10 : i32
      %scan3A_221 = arith.addi %scan3A_23, %scan3A_220 : i32
      %sub3A_222 = arith.constant 255 : i32
      %sub3A_223 = arith.subi %sub3A_222, %scan3A_221 : i32
      %get3A_224 = arith.index_cast %sub3A_223 : i32 to index
      %get3A_225 = arith.constant 0 : index
      %get3A_226 = vector.load %arg2[%get3A_224, %get3A_225] : memref<256x128xf32, #tpu.memory_space<vmem>>, vector<1x128xf32>
      %sub3A_227 = vector.broadcast %get3A_226 : vector<1x128xf32> to vector<128x128xf32>
      %sub3A_228 = arith.subf %get3A_1, %sub3A_227 : vector<128x128xf32>
      %mul3A_229 = arith.mulf %sub3A_228, %sub3A_228 : vector<128x128xf32>
      %le3A_230 = arith.cmpf ole, %mul3A_229, %min3A_217 : vector<128x128xf32>
      %le3A_231 = arith.cmpf ole, %mul3A_229, %min3A_213 : vector<128x128xf32>
      %max3A_232 = arith.maximumf %mul3A_229, %min3A_217 : vector<128x128xf32>
      %min3A_233 = arith.minimumf %min3A_213, %max3A_232 : vector<128x128xf32>
      %broadcast_in_dim3A_234 = vector.broadcast %sub3A_223 : i32 to vector<128x128xi32>
      %select_n3A_235 = arith.select %le3A_231, %broadcast_in_dim3A_234, %select_n3A_216 : vector<128x128xi1>, vector<128x128xi32>
      %select_n3A_236 = arith.select %le3A_230, %select_n3A_219, %select_n3A_235 : vector<128x128xi1>, vector<128x128xi32>
      %min3A_237 = arith.minimumf %min3A_217, %mul3A_229 : vector<128x128xf32>
      %broadcast_in_dim3A_238 = vector.broadcast %sub3A_223 : i32 to vector<128x128xi32>
      %select_n3A_239 = arith.select %le3A_230, %broadcast_in_dim3A_238, %select_n3A_219 : vector<128x128xi1>, vector<128x128xi32>
      %scan3A_240 = arith.constant 11 : i32
      %scan3A_241 = arith.addi %scan3A_23, %scan3A_240 : i32
      %sub3A_242 = arith.constant 255 : i32
      %sub3A_243 = arith.subi %sub3A_242, %scan3A_241 : i32
      %get3A_244 = arith.index_cast %sub3A_243 : i32 to index
      %get3A_245 = arith.constant 0 : index
      %get3A_246 = vector.load %arg2[%get3A_244, %get3A_245] : memref<256x128xf32, #tpu.memory_space<vmem>>, vector<1x128xf32>
      %sub3A_247 = vector.broadcast %get3A_246 : vector<1x128xf32> to vector<128x128xf32>
      %sub3A_248 = arith.subf %get3A_1, %sub3A_247 : vector<128x128xf32>
      %mul3A_249 = arith.mulf %sub3A_248, %sub3A_248 : vector<128x128xf32>
      %le3A_250 = arith.cmpf ole, %mul3A_249, %min3A_237 : vector<128x128xf32>
      %le3A_251 = arith.cmpf ole, %mul3A_249, %min3A_233 : vector<128x128xf32>
      %max3A_252 = arith.maximumf %mul3A_249, %min3A_237 : vector<128x128xf32>
      %min3A_253 = arith.minimumf %min3A_233, %max3A_252 : vector<128x128xf32>
      %broadcast_in_dim3A_254 = vector.broadcast %sub3A_243 : i32 to vector<128x128xi32>
      %select_n3A_255 = arith.select %le3A_251, %broadcast_in_dim3A_254, %select_n3A_236 : vector<128x128xi1>, vector<128x128xi32>
      %select_n3A_256 = arith.select %le3A_250, %select_n3A_239, %select_n3A_255 : vector<128x128xi1>, vector<128x128xi32>
      %min3A_257 = arith.minimumf %min3A_237, %mul3A_249 : vector<128x128xf32>
      %broadcast_in_dim3A_258 = vector.broadcast %sub3A_243 : i32 to vector<128x128xi32>
      %select_n3A_259 = arith.select %le3A_250, %broadcast_in_dim3A_258, %select_n3A_239 : vector<128x128xi1>, vector<128x128xi32>
      %scan3A_260 = arith.constant 12 : i32
      %scan3A_261 = arith.addi %scan3A_23, %scan3A_260 : i32
      %sub3A_262 = arith.constant 255 : i32
      %sub3A_263 = arith.subi %sub3A_262, %scan3A_261 : i32
      %get3A_264 = arith.index_cast %sub3A_263 : i32 to index
      %get3A_265 = arith.constant 0 : index
      %get3A_266 = vector.load %arg2[%get3A_264, %get3A_265] : memref<256x128xf32, #tpu.memory_space<vmem>>, vector<1x128xf32>
      %sub3A_267 = vector.broadcast %get3A_266 : vector<1x128xf32> to vector<128x128xf32>
      %sub3A_268 = arith.subf %get3A_1, %sub3A_267 : vector<128x128xf32>
      %mul3A_269 = arith.mulf %sub3A_268, %sub3A_268 : vector<128x128xf32>
      %le3A_270 = arith.cmpf ole, %mul3A_269, %min3A_257 : vector<128x128xf32>
      %le3A_271 = arith.cmpf ole, %mul3A_269, %min3A_253 : vector<128x128xf32>
      %max3A_272 = arith.maximumf %mul3A_269, %min3A_257 : vector<128x128xf32>
      %min3A_273 = arith.minimumf %min3A_253, %max3A_272 : vector<128x128xf32>
      %broadcast_in_dim3A_274 = vector.broadcast %sub3A_263 : i32 to vector<128x128xi32>
      %select_n3A_275 = arith.select %le3A_271, %broadcast_in_dim3A_274, %select_n3A_256 : vector<128x128xi1>, vector<128x128xi32>
      %select_n3A_276 = arith.select %le3A_270, %select_n3A_259, %select_n3A_275 : vector<128x128xi1>, vector<128x128xi32>
      %min3A_277 = arith.minimumf %min3A_257, %mul3A_269 : vector<128x128xf32>
      %broadcast_in_dim3A_278 = vector.broadcast %sub3A_263 : i32 to vector<128x128xi32>
      %select_n3A_279 = arith.select %le3A_270, %broadcast_in_dim3A_278, %select_n3A_259 : vector<128x128xi1>, vector<128x128xi32>
      %scan3A_280 = arith.constant 13 : i32
      %scan3A_281 = arith.addi %scan3A_23, %scan3A_280 : i32
      %sub3A_282 = arith.constant 255 : i32
      %sub3A_283 = arith.subi %sub3A_282, %scan3A_281 : i32
      %get3A_284 = arith.index_cast %sub3A_283 : i32 to index
      %get3A_285 = arith.constant 0 : index
      %get3A_286 = vector.load %arg2[%get3A_284, %get3A_285] : memref<256x128xf32, #tpu.memory_space<vmem>>, vector<1x128xf32>
      %sub3A_287 = vector.broadcast %get3A_286 : vector<1x128xf32> to vector<128x128xf32>
      %sub3A_288 = arith.subf %get3A_1, %sub3A_287 : vector<128x128xf32>
      %mul3A_289 = arith.mulf %sub3A_288, %sub3A_288 : vector<128x128xf32>
      %le3A_290 = arith.cmpf ole, %mul3A_289, %min3A_277 : vector<128x128xf32>
      %le3A_291 = arith.cmpf ole, %mul3A_289, %min3A_273 : vector<128x128xf32>
      %max3A_292 = arith.maximumf %mul3A_289, %min3A_277 : vector<128x128xf32>
      %min3A_293 = arith.minimumf %min3A_273, %max3A_292 : vector<128x128xf32>
      %broadcast_in_dim3A_294 = vector.broadcast %sub3A_283 : i32 to vector<128x128xi32>
      %select_n3A_295 = arith.select %le3A_291, %broadcast_in_dim3A_294, %select_n3A_276 : vector<128x128xi1>, vector<128x128xi32>
      %select_n3A_296 = arith.select %le3A_290, %select_n3A_279, %select_n3A_295 : vector<128x128xi1>, vector<128x128xi32>
      %min3A_297 = arith.minimumf %min3A_277, %mul3A_289 : vector<128x128xf32>
      %broadcast_in_dim3A_298 = vector.broadcast %sub3A_283 : i32 to vector<128x128xi32>
      %select_n3A_299 = arith.select %le3A_290, %broadcast_in_dim3A_298, %select_n3A_279 : vector<128x128xi1>, vector<128x128xi32>
      %scan3A_300 = arith.constant 14 : i32
      %scan3A_301 = arith.addi %scan3A_23, %scan3A_300 : i32
      %sub3A_302 = arith.constant 255 : i32
      %sub3A_303 = arith.subi %sub3A_302, %scan3A_301 : i32
      %get3A_304 = arith.index_cast %sub3A_303 : i32 to index
      %get3A_305 = arith.constant 0 : index
      %get3A_306 = vector.load %arg2[%get3A_304, %get3A_305] : memref<256x128xf32, #tpu.memory_space<vmem>>, vector<1x128xf32>
      %sub3A_307 = vector.broadcast %get3A_306 : vector<1x128xf32> to vector<128x128xf32>
      %sub3A_308 = arith.subf %get3A_1, %sub3A_307 : vector<128x128xf32>
      %mul3A_309 = arith.mulf %sub3A_308, %sub3A_308 : vector<128x128xf32>
      %le3A_310 = arith.cmpf ole, %mul3A_309, %min3A_297 : vector<128x128xf32>
      %le3A_311 = arith.cmpf ole, %mul3A_309, %min3A_293 : vector<128x128xf32>
      %max3A_312 = arith.maximumf %mul3A_309, %min3A_297 : vector<128x128xf32>
      %min3A_313 = arith.minimumf %min3A_293, %max3A_312 : vector<128x128xf32>
      %broadcast_in_dim3A_314 = vector.broadcast %sub3A_303 : i32 to vector<128x128xi32>
      %select_n3A_315 = arith.select %le3A_311, %broadcast_in_dim3A_314, %select_n3A_296 : vector<128x128xi1>, vector<128x128xi32>
      %select_n3A_316 = arith.select %le3A_310, %select_n3A_299, %select_n3A_315 : vector<128x128xi1>, vector<128x128xi32>
      %min3A_317 = arith.minimumf %min3A_297, %mul3A_309 : vector<128x128xf32>
      %broadcast_in_dim3A_318 = vector.broadcast %sub3A_303 : i32 to vector<128x128xi32>
      %select_n3A_319 = arith.select %le3A_310, %broadcast_in_dim3A_318, %select_n3A_299 : vector<128x128xi1>, vector<128x128xi32>
      %scan3A_320 = arith.constant 15 : i32
      %scan3A_321 = arith.addi %scan3A_23, %scan3A_320 : i32
      %sub3A_322 = arith.constant 255 : i32
      %sub3A_323 = arith.subi %sub3A_322, %scan3A_321 : i32
      %get3A_324 = arith.index_cast %sub3A_323 : i32 to index
      %get3A_325 = arith.constant 0 : index
      %get3A_326 = vector.load %arg2[%get3A_324, %get3A_325] : memref<256x128xf32, #tpu.memory_space<vmem>>, vector<1x128xf32>
      %sub3A_327 = vector.broadcast %get3A_326 : vector<1x128xf32> to vector<128x128xf32>
      %sub3A_328 = arith.subf %get3A_1, %sub3A_327 : vector<128x128xf32>
      %mul3A_329 = arith.mulf %sub3A_328, %sub3A_328 : vector<128x128xf32>
      %le3A_330 = arith.cmpf ole, %mul3A_329, %min3A_317 : vector<128x128xf32>
      %le3A_331 = arith.cmpf ole, %mul3A_329, %min3A_313 : vector<128x128xf32>
      %max3A_332 = arith.maximumf %mul3A_329, %min3A_317 : vector<128x128xf32>
      %min3A_333 = arith.minimumf %min3A_313, %max3A_332 : vector<128x128xf32>
      %broadcast_in_dim3A_334 = vector.broadcast %sub3A_323 : i32 to vector<128x128xi32>
      %select_n3A_335 = arith.select %le3A_331, %broadcast_in_dim3A_334, %select_n3A_316 : vector<128x128xi1>, vector<128x128xi32>
      %select_n3A_336 = arith.select %le3A_330, %select_n3A_319, %select_n3A_335 : vector<128x128xi1>, vector<128x128xi32>
      %min3A_337 = arith.minimumf %min3A_317, %mul3A_329 : vector<128x128xf32>
      %broadcast_in_dim3A_338 = vector.broadcast %sub3A_323 : i32 to vector<128x128xi32>
      %select_n3A_339 = arith.select %le3A_330, %broadcast_in_dim3A_338, %select_n3A_319 : vector<128x128xi1>, vector<128x128xi32>
      %scan3A_340 = arith.constant 16 : i32
      %scan3A_341 = arith.addi %scan3A_23, %scan3A_340 : i32
      %sub3A_342 = arith.constant 255 : i32
      %sub3A_343 = arith.subi %sub3A_342, %scan3A_341 : i32
      %get3A_344 = arith.index_cast %sub3A_343 : i32 to index
      %get3A_345 = arith.constant 0 : index
      %get3A_346 = vector.load %arg2[%get3A_344, %get3A_345] : memref<256x128xf32, #tpu.memory_space<vmem>>, vector<1x128xf32>
      %sub3A_347 = vector.broadcast %get3A_346 : vector<1x128xf32> to vector<128x128xf32>
      %sub3A_348 = arith.subf %get3A_1, %sub3A_347 : vector<128x128xf32>
      %mul3A_349 = arith.mulf %sub3A_348, %sub3A_348 : vector<128x128xf32>
      %le3A_350 = arith.cmpf ole, %mul3A_349, %min3A_337 : vector<128x128xf32>
      %le3A_351 = arith.cmpf ole, %mul3A_349, %min3A_333 : vector<128x128xf32>
      %max3A_352 = arith.maximumf %mul3A_349, %min3A_337 : vector<128x128xf32>
      %min3A_353 = arith.minimumf %min3A_333, %max3A_352 : vector<128x128xf32>
      %broadcast_in_dim3A_354 = vector.broadcast %sub3A_343 : i32 to vector<128x128xi32>
      %select_n3A_355 = arith.select %le3A_351, %broadcast_in_dim3A_354, %select_n3A_336 : vector<128x128xi1>, vector<128x128xi32>
      %select_n3A_356 = arith.select %le3A_350, %select_n3A_339, %select_n3A_355 : vector<128x128xi1>, vector<128x128xi32>
      %min3A_357 = arith.minimumf %min3A_337, %mul3A_349 : vector<128x128xf32>
      %broadcast_in_dim3A_358 = vector.broadcast %sub3A_343 : i32 to vector<128x128xi32>
      %select_n3A_359 = arith.select %le3A_350, %broadcast_in_dim3A_358, %select_n3A_339 : vector<128x128xi1>, vector<128x128xi32>
      %scan3A_360 = arith.constant 17 : i32
      %scan3A_361 = arith.addi %scan3A_23, %scan3A_360 : i32
      %sub3A_362 = arith.constant 255 : i32
      %sub3A_363 = arith.subi %sub3A_362, %scan3A_361 : i32
      %get3A_364 = arith.index_cast %sub3A_363 : i32 to index
      %get3A_365 = arith.constant 0 : index
      %get3A_366 = vector.load %arg2[%get3A_364, %get3A_365] : memref<256x128xf32, #tpu.memory_space<vmem>>, vector<1x128xf32>
      %sub3A_367 = vector.broadcast %get3A_366 : vector<1x128xf32> to vector<128x128xf32>
      %sub3A_368 = arith.subf %get3A_1, %sub3A_367 : vector<128x128xf32>
      %mul3A_369 = arith.mulf %sub3A_368, %sub3A_368 : vector<128x128xf32>
      %le3A_370 = arith.cmpf ole, %mul3A_369, %min3A_357 : vector<128x128xf32>
      %le3A_371 = arith.cmpf ole, %mul3A_369, %min3A_353 : vector<128x128xf32>
      %max3A_372 = arith.maximumf %mul3A_369, %min3A_357 : vector<128x128xf32>
      %min3A_373 = arith.minimumf %min3A_353, %max3A_372 : vector<128x128xf32>
      %broadcast_in_dim3A_374 = vector.broadcast %sub3A_363 : i32 to vector<128x128xi32>
      %select_n3A_375 = arith.select %le3A_371, %broadcast_in_dim3A_374, %select_n3A_356 : vector<128x128xi1>, vector<128x128xi32>
      %select_n3A_376 = arith.select %le3A_370, %select_n3A_359, %select_n3A_375 : vector<128x128xi1>, vector<128x128xi32>
      %min3A_377 = arith.minimumf %min3A_357, %mul3A_369 : vector<128x128xf32>
      %broadcast_in_dim3A_378 = vector.broadcast %sub3A_363 : i32 to vector<128x128xi32>
      %select_n3A_379 = arith.select %le3A_370, %broadcast_in_dim3A_378, %select_n3A_359 : vector<128x128xi1>, vector<128x128xi32>
      %scan3A_380 = arith.constant 18 : i32
      %scan3A_381 = arith.addi %scan3A_23, %scan3A_380 : i32
      %sub3A_382 = arith.constant 255 : i32
      %sub3A_383 = arith.subi %sub3A_382, %scan3A_381 : i32
      %get3A_384 = arith.index_cast %sub3A_383 : i32 to index
      %get3A_385 = arith.constant 0 : index
      %get3A_386 = vector.load %arg2[%get3A_384, %get3A_385] : memref<256x128xf32, #tpu.memory_space<vmem>>, vector<1x128xf32>
      %sub3A_387 = vector.broadcast %get3A_386 : vector<1x128xf32> to vector<128x128xf32>
      %sub3A_388 = arith.subf %get3A_1, %sub3A_387 : vector<128x128xf32>
      %mul3A_389 = arith.mulf %sub3A_388, %sub3A_388 : vector<128x128xf32>
      %le3A_390 = arith.cmpf ole, %mul3A_389, %min3A_377 : vector<128x128xf32>
      %le3A_391 = arith.cmpf ole, %mul3A_389, %min3A_373 : vector<128x128xf32>
      %max3A_392 = arith.maximumf %mul3A_389, %min3A_377 : vector<128x128xf32>
      %min3A_393 = arith.minimumf %min3A_373, %max3A_392 : vector<128x128xf32>
      %broadcast_in_dim3A_394 = vector.broadcast %sub3A_383 : i32 to vector<128x128xi32>
      %select_n3A_395 = arith.select %le3A_391, %broadcast_in_dim3A_394, %select_n3A_376 : vector<128x128xi1>, vector<128x128xi32>
      %select_n3A_396 = arith.select %le3A_390, %select_n3A_379, %select_n3A_395 : vector<128x128xi1>, vector<128x128xi32>
      %min3A_397 = arith.minimumf %min3A_377, %mul3A_389 : vector<128x128xf32>
      %broadcast_in_dim3A_398 = vector.broadcast %sub3A_383 : i32 to vector<128x128xi32>
      %select_n3A_399 = arith.select %le3A_390, %broadcast_in_dim3A_398, %select_n3A_379 : vector<128x128xi1>, vector<128x128xi32>
      %scan3A_400 = arith.constant 19 : i32
      %scan3A_401 = arith.addi %scan3A_23, %scan3A_400 : i32
      %sub3A_402 = arith.constant 255 : i32
      %sub3A_403 = arith.subi %sub3A_402, %scan3A_401 : i32
      %get3A_404 = arith.index_cast %sub3A_403 : i32 to index
      %get3A_405 = arith.constant 0 : index
      %get3A_406 = vector.load %arg2[%get3A_404, %get3A_405] : memref<256x128xf32, #tpu.memory_space<vmem>>, vector<1x128xf32>
      %sub3A_407 = vector.broadcast %get3A_406 : vector<1x128xf32> to vector<128x128xf32>
      %sub3A_408 = arith.subf %get3A_1, %sub3A_407 : vector<128x128xf32>
      %mul3A_409 = arith.mulf %sub3A_408, %sub3A_408 : vector<128x128xf32>
      %le3A_410 = arith.cmpf ole, %mul3A_409, %min3A_397 : vector<128x128xf32>
      %le3A_411 = arith.cmpf ole, %mul3A_409, %min3A_393 : vector<128x128xf32>
      %max3A_412 = arith.maximumf %mul3A_409, %min3A_397 : vector<128x128xf32>
      %min3A_413 = arith.minimumf %min3A_393, %max3A_412 : vector<128x128xf32>
      %broadcast_in_dim3A_414 = vector.broadcast %sub3A_403 : i32 to vector<128x128xi32>
      %select_n3A_415 = arith.select %le3A_411, %broadcast_in_dim3A_414, %select_n3A_396 : vector<128x128xi1>, vector<128x128xi32>
      %select_n3A_416 = arith.select %le3A_410, %select_n3A_399, %select_n3A_415 : vector<128x128xi1>, vector<128x128xi32>
      %min3A_417 = arith.minimumf %min3A_397, %mul3A_409 : vector<128x128xf32>
      %broadcast_in_dim3A_418 = vector.broadcast %sub3A_403 : i32 to vector<128x128xi32>
      %select_n3A_419 = arith.select %le3A_410, %broadcast_in_dim3A_418, %select_n3A_399 : vector<128x128xi1>, vector<128x128xi32>
      %scan3A_420 = arith.constant 20 : i32
      %scan3A_421 = arith.addi %scan3A_23, %scan3A_420 : i32
      %sub3A_422 = arith.constant 255 : i32
      %sub3A_423 = arith.subi %sub3A_422, %scan3A_421 : i32
      %get3A_424 = arith.index_cast %sub3A_423 : i32 to index
      %get3A_425 = arith.constant 0 : index
      %get3A_426 = vector.load %arg2[%get3A_424, %get3A_425] : memref<256x128xf32, #tpu.memory_space<vmem>>, vector<1x128xf32>
      %sub3A_427 = vector.broadcast %get3A_426 : vector<1x128xf32> to vector<128x128xf32>
      %sub3A_428 = arith.subf %get3A_1, %sub3A_427 : vector<128x128xf32>
      %mul3A_429 = arith.mulf %sub3A_428, %sub3A_428 : vector<128x128xf32>
      %le3A_430 = arith.cmpf ole, %mul3A_429, %min3A_417 : vector<128x128xf32>
      %le3A_431 = arith.cmpf ole, %mul3A_429, %min3A_413 : vector<128x128xf32>
      %max3A_432 = arith.maximumf %mul3A_429, %min3A_417 : vector<128x128xf32>
      %min3A_433 = arith.minimumf %min3A_413, %max3A_432 : vector<128x128xf32>
      %broadcast_in_dim3A_434 = vector.broadcast %sub3A_423 : i32 to vector<128x128xi32>
      %select_n3A_435 = arith.select %le3A_431, %broadcast_in_dim3A_434, %select_n3A_416 : vector<128x128xi1>, vector<128x128xi32>
      %select_n3A_436 = arith.select %le3A_430, %select_n3A_419, %select_n3A_435 : vector<128x128xi1>, vector<128x128xi32>
      %min3A_437 = arith.minimumf %min3A_417, %mul3A_429 : vector<128x128xf32>
      %broadcast_in_dim3A_438 = vector.broadcast %sub3A_423 : i32 to vector<128x128xi32>
      %select_n3A_439 = arith.select %le3A_430, %broadcast_in_dim3A_438, %select_n3A_419 : vector<128x128xi1>, vector<128x128xi32>
      %scan3A_440 = arith.constant 21 : i32
      %scan3A_441 = arith.addi %scan3A_23, %scan3A_440 : i32
      %sub3A_442 = arith.constant 255 : i32
      %sub3A_443 = arith.subi %sub3A_442, %scan3A_441 : i32
      %get3A_444 = arith.index_cast %sub3A_443 : i32 to index
      %get3A_445 = arith.constant 0 : index
      %get3A_446 = vector.load %arg2[%get3A_444, %get3A_445] : memref<256x128xf32, #tpu.memory_space<vmem>>, vector<1x128xf32>
      %sub3A_447 = vector.broadcast %get3A_446 : vector<1x128xf32> to vector<128x128xf32>
      %sub3A_448 = arith.subf %get3A_1, %sub3A_447 : vector<128x128xf32>
      %mul3A_449 = arith.mulf %sub3A_448, %sub3A_448 : vector<128x128xf32>
      %le3A_450 = arith.cmpf ole, %mul3A_449, %min3A_437 : vector<128x128xf32>
      %le3A_451 = arith.cmpf ole, %mul3A_449, %min3A_433 : vector<128x128xf32>
      %max3A_452 = arith.maximumf %mul3A_449, %min3A_437 : vector<128x128xf32>
      %min3A_453 = arith.minimumf %min3A_433, %max3A_452 : vector<128x128xf32>
      %broadcast_in_dim3A_454 = vector.broadcast %sub3A_443 : i32 to vector<128x128xi32>
      %select_n3A_455 = arith.select %le3A_451, %broadcast_in_dim3A_454, %select_n3A_436 : vector<128x128xi1>, vector<128x128xi32>
      %select_n3A_456 = arith.select %le3A_450, %select_n3A_439, %select_n3A_455 : vector<128x128xi1>, vector<128x128xi32>
      %min3A_457 = arith.minimumf %min3A_437, %mul3A_449 : vector<128x128xf32>
      %broadcast_in_dim3A_458 = vector.broadcast %sub3A_443 : i32 to vector<128x128xi32>
      %select_n3A_459 = arith.select %le3A_450, %broadcast_in_dim3A_458, %select_n3A_439 : vector<128x128xi1>, vector<128x128xi32>
      %scan3A_460 = arith.constant 22 : i32
      %scan3A_461 = arith.addi %scan3A_23, %scan3A_460 : i32
      %sub3A_462 = arith.constant 255 : i32
      %sub3A_463 = arith.subi %sub3A_462, %scan3A_461 : i32
      %get3A_464 = arith.index_cast %sub3A_463 : i32 to index
      %get3A_465 = arith.constant 0 : index
      %get3A_466 = vector.load %arg2[%get3A_464, %get3A_465] : memref<256x128xf32, #tpu.memory_space<vmem>>, vector<1x128xf32>
      %sub3A_467 = vector.broadcast %get3A_466 : vector<1x128xf32> to vector<128x128xf32>
      %sub3A_468 = arith.subf %get3A_1, %sub3A_467 : vector<128x128xf32>
      %mul3A_469 = arith.mulf %sub3A_468, %sub3A_468 : vector<128x128xf32>
      %le3A_470 = arith.cmpf ole, %mul3A_469, %min3A_457 : vector<128x128xf32>
      %le3A_471 = arith.cmpf ole, %mul3A_469, %min3A_453 : vector<128x128xf32>
      %max3A_472 = arith.maximumf %mul3A_469, %min3A_457 : vector<128x128xf32>
      %min3A_473 = arith.minimumf %min3A_453, %max3A_472 : vector<128x128xf32>
      %broadcast_in_dim3A_474 = vector.broadcast %sub3A_463 : i32 to vector<128x128xi32>
      %select_n3A_475 = arith.select %le3A_471, %broadcast_in_dim3A_474, %select_n3A_456 : vector<128x128xi1>, vector<128x128xi32>
      %select_n3A_476 = arith.select %le3A_470, %select_n3A_459, %select_n3A_475 : vector<128x128xi1>, vector<128x128xi32>
      %min3A_477 = arith.minimumf %min3A_457, %mul3A_469 : vector<128x128xf32>
      %broadcast_in_dim3A_478 = vector.broadcast %sub3A_463 : i32 to vector<128x128xi32>
      %select_n3A_479 = arith.select %le3A_470, %broadcast_in_dim3A_478, %select_n3A_459 : vector<128x128xi1>, vector<128x128xi32>
      %scan3A_480 = arith.constant 23 : i32
      %scan3A_481 = arith.addi %scan3A_23, %scan3A_480 : i32
      %sub3A_482 = arith.constant 255 : i32
      %sub3A_483 = arith.subi %sub3A_482, %scan3A_481 : i32
      %get3A_484 = arith.index_cast %sub3A_483 : i32 to index
      %get3A_485 = arith.constant 0 : index
      %get3A_486 = vector.load %arg2[%get3A_484, %get3A_485] : memref<256x128xf32, #tpu.memory_space<vmem>>, vector<1x128xf32>
      %sub3A_487 = vector.broadcast %get3A_486 : vector<1x128xf32> to vector<128x128xf32>
      %sub3A_488 = arith.subf %get3A_1, %sub3A_487 : vector<128x128xf32>
      %mul3A_489 = arith.mulf %sub3A_488, %sub3A_488 : vector<128x128xf32>
      %le3A_490 = arith.cmpf ole, %mul3A_489, %min3A_477 : vector<128x128xf32>
      %le3A_491 = arith.cmpf ole, %mul3A_489, %min3A_473 : vector<128x128xf32>
      %max3A_492 = arith.maximumf %mul3A_489, %min3A_477 : vector<128x128xf32>
      %min3A_493 = arith.minimumf %min3A_473, %max3A_492 : vector<128x128xf32>
      %broadcast_in_dim3A_494 = vector.broadcast %sub3A_483 : i32 to vector<128x128xi32>
      %select_n3A_495 = arith.select %le3A_491, %broadcast_in_dim3A_494, %select_n3A_476 : vector<128x128xi1>, vector<128x128xi32>
      %select_n3A_496 = arith.select %le3A_490, %select_n3A_479, %select_n3A_495 : vector<128x128xi1>, vector<128x128xi32>
      %min3A_497 = arith.minimumf %min3A_477, %mul3A_489 : vector<128x128xf32>
      %broadcast_in_dim3A_498 = vector.broadcast %sub3A_483 : i32 to vector<128x128xi32>
      %select_n3A_499 = arith.select %le3A_490, %broadcast_in_dim3A_498, %select_n3A_479 : vector<128x128xi1>, vector<128x128xi32>
      %scan3A_500 = arith.constant 24 : i32
      %scan3A_501 = arith.addi %scan3A_23, %scan3A_500 : i32
      %sub3A_502 = arith.constant 255 : i32
      %sub3A_503 = arith.subi %sub3A_502, %scan3A_501 : i32
      %get3A_504 = arith.index_cast %sub3A_503 : i32 to index
      %get3A_505 = arith.constant 0 : index
      %get3A_506 = vector.load %arg2[%get3A_504, %get3A_505] : memref<256x128xf32, #tpu.memory_space<vmem>>, vector<1x128xf32>
      %sub3A_507 = vector.broadcast %get3A_506 : vector<1x128xf32> to vector<128x128xf32>
      %sub3A_508 = arith.subf %get3A_1, %sub3A_507 : vector<128x128xf32>
      %mul3A_509 = arith.mulf %sub3A_508, %sub3A_508 : vector<128x128xf32>
      %le3A_510 = arith.cmpf ole, %mul3A_509, %min3A_497 : vector<128x128xf32>
      %le3A_511 = arith.cmpf ole, %mul3A_509, %min3A_493 : vector<128x128xf32>
      %max3A_512 = arith.maximumf %mul3A_509, %min3A_497 : vector<128x128xf32>
      %min3A_513 = arith.minimumf %min3A_493, %max3A_512 : vector<128x128xf32>
      %broadcast_in_dim3A_514 = vector.broadcast %sub3A_503 : i32 to vector<128x128xi32>
      %select_n3A_515 = arith.select %le3A_511, %broadcast_in_dim3A_514, %select_n3A_496 : vector<128x128xi1>, vector<128x128xi32>
      %select_n3A_516 = arith.select %le3A_510, %select_n3A_499, %select_n3A_515 : vector<128x128xi1>, vector<128x128xi32>
      %min3A_517 = arith.minimumf %min3A_497, %mul3A_509 : vector<128x128xf32>
      %broadcast_in_dim3A_518 = vector.broadcast %sub3A_503 : i32 to vector<128x128xi32>
      %select_n3A_519 = arith.select %le3A_510, %broadcast_in_dim3A_518, %select_n3A_499 : vector<128x128xi1>, vector<128x128xi32>
      %scan3A_520 = arith.constant 25 : i32
      %scan3A_521 = arith.addi %scan3A_23, %scan3A_520 : i32
      %sub3A_522 = arith.constant 255 : i32
      %sub3A_523 = arith.subi %sub3A_522, %scan3A_521 : i32
      %get3A_524 = arith.index_cast %sub3A_523 : i32 to index
      %get3A_525 = arith.constant 0 : index
      %get3A_526 = vector.load %arg2[%get3A_524, %get3A_525] : memref<256x128xf32, #tpu.memory_space<vmem>>, vector<1x128xf32>
      %sub3A_527 = vector.broadcast %get3A_526 : vector<1x128xf32> to vector<128x128xf32>
      %sub3A_528 = arith.subf %get3A_1, %sub3A_527 : vector<128x128xf32>
      %mul3A_529 = arith.mulf %sub3A_528, %sub3A_528 : vector<128x128xf32>
      %le3A_530 = arith.cmpf ole, %mul3A_529, %min3A_517 : vector<128x128xf32>
      %le3A_531 = arith.cmpf ole, %mul3A_529, %min3A_513 : vector<128x128xf32>
      %max3A_532 = arith.maximumf %mul3A_529, %min3A_517 : vector<128x128xf32>
      %min3A_533 = arith.minimumf %min3A_513, %max3A_532 : vector<128x128xf32>
      %broadcast_in_dim3A_534 = vector.broadcast %sub3A_523 : i32 to vector<128x128xi32>
      %select_n3A_535 = arith.select %le3A_531, %broadcast_in_dim3A_534, %select_n3A_516 : vector<128x128xi1>, vector<128x128xi32>
      %select_n3A_536 = arith.select %le3A_530, %select_n3A_519, %select_n3A_535 : vector<128x128xi1>, vector<128x128xi32>
      %min3A_537 = arith.minimumf %min3A_517, %mul3A_529 : vector<128x128xf32>
      %broadcast_in_dim3A_538 = vector.broadcast %sub3A_523 : i32 to vector<128x128xi32>
      %select_n3A_539 = arith.select %le3A_530, %broadcast_in_dim3A_538, %select_n3A_519 : vector<128x128xi1>, vector<128x128xi32>
      %scan3A_540 = arith.constant 26 : i32
      %scan3A_541 = arith.addi %scan3A_23, %scan3A_540 : i32
      %sub3A_542 = arith.constant 255 : i32
      %sub3A_543 = arith.subi %sub3A_542, %scan3A_541 : i32
      %get3A_544 = arith.index_cast %sub3A_543 : i32 to index
      %get3A_545 = arith.constant 0 : index
      %get3A_546 = vector.load %arg2[%get3A_544, %get3A_545] : memref<256x128xf32, #tpu.memory_space<vmem>>, vector<1x128xf32>
      %sub3A_547 = vector.broadcast %get3A_546 : vector<1x128xf32> to vector<128x128xf32>
      %sub3A_548 = arith.subf %get3A_1, %sub3A_547 : vector<128x128xf32>
      %mul3A_549 = arith.mulf %sub3A_548, %sub3A_548 : vector<128x128xf32>
      %le3A_550 = arith.cmpf ole, %mul3A_549, %min3A_537 : vector<128x128xf32>
      %le3A_551 = arith.cmpf ole, %mul3A_549, %min3A_533 : vector<128x128xf32>
      %max3A_552 = arith.maximumf %mul3A_549, %min3A_537 : vector<128x128xf32>
      %min3A_553 = arith.minimumf %min3A_533, %max3A_552 : vector<128x128xf32>
      %broadcast_in_dim3A_554 = vector.broadcast %sub3A_543 : i32 to vector<128x128xi32>
      %select_n3A_555 = arith.select %le3A_551, %broadcast_in_dim3A_554, %select_n3A_536 : vector<128x128xi1>, vector<128x128xi32>
      %select_n3A_556 = arith.select %le3A_550, %select_n3A_539, %select_n3A_555 : vector<128x128xi1>, vector<128x128xi32>
      %min3A_557 = arith.minimumf %min3A_537, %mul3A_549 : vector<128x128xf32>
      %broadcast_in_dim3A_558 = vector.broadcast %sub3A_543 : i32 to vector<128x128xi32>
      %select_n3A_559 = arith.select %le3A_550, %broadcast_in_dim3A_558, %select_n3A_539 : vector<128x128xi1>, vector<128x128xi32>
      %scan3A_560 = arith.constant 27 : i32
      %scan3A_561 = arith.addi %scan3A_23, %scan3A_560 : i32
      %sub3A_562 = arith.constant 255 : i32
      %sub3A_563 = arith.subi %sub3A_562, %scan3A_561 : i32
      %get3A_564 = arith.index_cast %sub3A_563 : i32 to index
      %get3A_565 = arith.constant 0 : index
      %get3A_566 = vector.load %arg2[%get3A_564, %get3A_565] : memref<256x128xf32, #tpu.memory_space<vmem>>, vector<1x128xf32>
      %sub3A_567 = vector.broadcast %get3A_566 : vector<1x128xf32> to vector<128x128xf32>
      %sub3A_568 = arith.subf %get3A_1, %sub3A_567 : vector<128x128xf32>
      %mul3A_569 = arith.mulf %sub3A_568, %sub3A_568 : vector<128x128xf32>
      %le3A_570 = arith.cmpf ole, %mul3A_569, %min3A_557 : vector<128x128xf32>
      %le3A_571 = arith.cmpf ole, %mul3A_569, %min3A_553 : vector<128x128xf32>
      %max3A_572 = arith.maximumf %mul3A_569, %min3A_557 : vector<128x128xf32>
      %min3A_573 = arith.minimumf %min3A_553, %max3A_572 : vector<128x128xf32>
      %broadcast_in_dim3A_574 = vector.broadcast %sub3A_563 : i32 to vector<128x128xi32>
      %select_n3A_575 = arith.select %le3A_571, %broadcast_in_dim3A_574, %select_n3A_556 : vector<128x128xi1>, vector<128x128xi32>
      %select_n3A_576 = arith.select %le3A_570, %select_n3A_559, %select_n3A_575 : vector<128x128xi1>, vector<128x128xi32>
      %min3A_577 = arith.minimumf %min3A_557, %mul3A_569 : vector<128x128xf32>
      %broadcast_in_dim3A_578 = vector.broadcast %sub3A_563 : i32 to vector<128x128xi32>
      %select_n3A_579 = arith.select %le3A_570, %broadcast_in_dim3A_578, %select_n3A_559 : vector<128x128xi1>, vector<128x128xi32>
      %scan3A_580 = arith.constant 28 : i32
      %scan3A_581 = arith.addi %scan3A_23, %scan3A_580 : i32
      %sub3A_582 = arith.constant 255 : i32
      %sub3A_583 = arith.subi %sub3A_582, %scan3A_581 : i32
      %get3A_584 = arith.index_cast %sub3A_583 : i32 to index
      %get3A_585 = arith.constant 0 : index
      %get3A_586 = vector.load %arg2[%get3A_584, %get3A_585] : memref<256x128xf32, #tpu.memory_space<vmem>>, vector<1x128xf32>
      %sub3A_587 = vector.broadcast %get3A_586 : vector<1x128xf32> to vector<128x128xf32>
      %sub3A_588 = arith.subf %get3A_1, %sub3A_587 : vector<128x128xf32>
      %mul3A_589 = arith.mulf %sub3A_588, %sub3A_588 : vector<128x128xf32>
      %le3A_590 = arith.cmpf ole, %mul3A_589, %min3A_577 : vector<128x128xf32>
      %le3A_591 = arith.cmpf ole, %mul3A_589, %min3A_573 : vector<128x128xf32>
      %max3A_592 = arith.maximumf %mul3A_589, %min3A_577 : vector<128x128xf32>
      %min3A_593 = arith.minimumf %min3A_573, %max3A_592 : vector<128x128xf32>
      %broadcast_in_dim3A_594 = vector.broadcast %sub3A_583 : i32 to vector<128x128xi32>
      %select_n3A_595 = arith.select %le3A_591, %broadcast_in_dim3A_594, %select_n3A_576 : vector<128x128xi1>, vector<128x128xi32>
      %select_n3A_596 = arith.select %le3A_590, %select_n3A_579, %select_n3A_595 : vector<128x128xi1>, vector<128x128xi32>
      %min3A_597 = arith.minimumf %min3A_577, %mul3A_589 : vector<128x128xf32>
      %broadcast_in_dim3A_598 = vector.broadcast %sub3A_583 : i32 to vector<128x128xi32>
      %select_n3A_599 = arith.select %le3A_590, %broadcast_in_dim3A_598, %select_n3A_579 : vector<128x128xi1>, vector<128x128xi32>
      %scan3A_600 = arith.constant 29 : i32
      %scan3A_601 = arith.addi %scan3A_23, %scan3A_600 : i32
      %sub3A_602 = arith.constant 255 : i32
      %sub3A_603 = arith.subi %sub3A_602, %scan3A_601 : i32
      %get3A_604 = arith.index_cast %sub3A_603 : i32 to index
      %get3A_605 = arith.constant 0 : index
      %get3A_606 = vector.load %arg2[%get3A_604, %get3A_605] : memref<256x128xf32, #tpu.memory_space<vmem>>, vector<1x128xf32>
      %sub3A_607 = vector.broadcast %get3A_606 : vector<1x128xf32> to vector<128x128xf32>
      %sub3A_608 = arith.subf %get3A_1, %sub3A_607 : vector<128x128xf32>
      %mul3A_609 = arith.mulf %sub3A_608, %sub3A_608 : vector<128x128xf32>
      %le3A_610 = arith.cmpf ole, %mul3A_609, %min3A_597 : vector<128x128xf32>
      %le3A_611 = arith.cmpf ole, %mul3A_609, %min3A_593 : vector<128x128xf32>
      %max3A_612 = arith.maximumf %mul3A_609, %min3A_597 : vector<128x128xf32>
      %min3A_613 = arith.minimumf %min3A_593, %max3A_612 : vector<128x128xf32>
      %broadcast_in_dim3A_614 = vector.broadcast %sub3A_603 : i32 to vector<128x128xi32>
      %select_n3A_615 = arith.select %le3A_611, %broadcast_in_dim3A_614, %select_n3A_596 : vector<128x128xi1>, vector<128x128xi32>
      %select_n3A_616 = arith.select %le3A_610, %select_n3A_599, %select_n3A_615 : vector<128x128xi1>, vector<128x128xi32>
      %min3A_617 = arith.minimumf %min3A_597, %mul3A_609 : vector<128x128xf32>
      %broadcast_in_dim3A_618 = vector.broadcast %sub3A_603 : i32 to vector<128x128xi32>
      %select_n3A_619 = arith.select %le3A_610, %broadcast_in_dim3A_618, %select_n3A_599 : vector<128x128xi1>, vector<128x128xi32>
      %scan3A_620 = arith.constant 30 : i32
      %scan3A_621 = arith.addi %scan3A_23, %scan3A_620 : i32
      %sub3A_622 = arith.constant 255 : i32
      %sub3A_623 = arith.subi %sub3A_622, %scan3A_621 : i32
      %get3A_624 = arith.index_cast %sub3A_623 : i32 to index
      %get3A_625 = arith.constant 0 : index
      %get3A_626 = vector.load %arg2[%get3A_624, %get3A_625] : memref<256x128xf32, #tpu.memory_space<vmem>>, vector<1x128xf32>
      %sub3A_627 = vector.broadcast %get3A_626 : vector<1x128xf32> to vector<128x128xf32>
      %sub3A_628 = arith.subf %get3A_1, %sub3A_627 : vector<128x128xf32>
      %mul3A_629 = arith.mulf %sub3A_628, %sub3A_628 : vector<128x128xf32>
      %le3A_630 = arith.cmpf ole, %mul3A_629, %min3A_617 : vector<128x128xf32>
      %le3A_631 = arith.cmpf ole, %mul3A_629, %min3A_613 : vector<128x128xf32>
      %max3A_632 = arith.maximumf %mul3A_629, %min3A_617 : vector<128x128xf32>
      %min3A_633 = arith.minimumf %min3A_613, %max3A_632 : vector<128x128xf32>
      %broadcast_in_dim3A_634 = vector.broadcast %sub3A_623 : i32 to vector<128x128xi32>
      %select_n3A_635 = arith.select %le3A_631, %broadcast_in_dim3A_634, %select_n3A_616 : vector<128x128xi1>, vector<128x128xi32>
      %select_n3A_636 = arith.select %le3A_630, %select_n3A_619, %select_n3A_635 : vector<128x128xi1>, vector<128x128xi32>
      %min3A_637 = arith.minimumf %min3A_617, %mul3A_629 : vector<128x128xf32>
      %broadcast_in_dim3A_638 = vector.broadcast %sub3A_623 : i32 to vector<128x128xi32>
      %select_n3A_639 = arith.select %le3A_630, %broadcast_in_dim3A_638, %select_n3A_619 : vector<128x128xi1>, vector<128x128xi32>
      %scan3A_640 = arith.constant 31 : i32
      %scan3A_641 = arith.addi %scan3A_23, %scan3A_640 : i32
      %sub3A_642 = arith.constant 255 : i32
      %sub3A_643 = arith.subi %sub3A_642, %scan3A_641 : i32
      %get3A_644 = arith.index_cast %sub3A_643 : i32 to index
      %get3A_645 = arith.constant 0 : index
      %get3A_646 = vector.load %arg2[%get3A_644, %get3A_645] : memref<256x128xf32, #tpu.memory_space<vmem>>, vector<1x128xf32>
      %sub3A_647 = vector.broadcast %get3A_646 : vector<1x128xf32> to vector<128x128xf32>
      %sub3A_648 = arith.subf %get3A_1, %sub3A_647 : vector<128x128xf32>
      %mul3A_649 = arith.mulf %sub3A_648, %sub3A_648 : vector<128x128xf32>
      %le3A_650 = arith.cmpf ole, %mul3A_649, %min3A_637 : vector<128x128xf32>
      %le3A_651 = arith.cmpf ole, %mul3A_649, %min3A_633 : vector<128x128xf32>
      %max3A_652 = arith.maximumf %mul3A_649, %min3A_637 : vector<128x128xf32>
      %min3A_653 = arith.minimumf %min3A_633, %max3A_652 : vector<128x128xf32>
      %broadcast_in_dim3A_654 = vector.broadcast %sub3A_643 : i32 to vector<128x128xi32>
      %select_n3A_655 = arith.select %le3A_651, %broadcast_in_dim3A_654, %select_n3A_636 : vector<128x128xi1>, vector<128x128xi32>
      %select_n3A_656 = arith.select %le3A_650, %select_n3A_639, %select_n3A_655 : vector<128x128xi1>, vector<128x128xi32>
      %min3A_657 = arith.minimumf %min3A_637, %mul3A_649 : vector<128x128xf32>
      %broadcast_in_dim3A_658 = vector.broadcast %sub3A_643 : i32 to vector<128x128xi32>
      %select_n3A_659 = arith.select %le3A_650, %broadcast_in_dim3A_658, %select_n3A_639 : vector<128x128xi1>, vector<128x128xi32>
      scf.yield %min3A_657, %select_n3A_659, %min3A_653, %select_n3A_656 : vector<128x128xf32>, vector<128x128xi32>, vector<128x128xf32>, vector<128x128xi32>
    }
    %scan3A_13 = arith.constant 256 : i32
    %reshape3A = vector.shape_cast %scan3A_12#1 : vector<128x128xi32> to vector<8x16x128xi32>
    %transpose3A = tpu.transpose %reshape3A, [0, 2, 1] : vector<8x16x128xi32> -> vector<8x128x16xi32>
    %swap3A = arith.constant 0 : index
    %swap3A_14 = arith.constant 0 : index
    %swap3A_15 = arith.constant 0 : index
    %swap3A_16 = vector.load %arg3[%swap3A, %swap3A_14, %swap3A_15] : memref<8x128x16xi32, #tpu.memory_space<vmem>>, vector<8x128x16xi32>
    tpu.vector_store %arg3[%swap3A, %swap3A_14, %swap3A_15], %transpose3A {strides = array<i32>} : memref<8x128x16xi32, #tpu.memory_space<vmem>>, vector<8x128x16xi32>,
    %reshape3A_17 = vector.shape_cast %scan3A_12#3 : vector<128x128xi32> to vector<8x16x128xi32>
    %transpose3A_18 = tpu.transpose %reshape3A_17, [0, 2, 1] : vector<8x16x128xi32> -> vector<8x128x16xi32>
    %swap3A_19 = arith.constant 0 : index
    %swap3A_20 = arith.constant 0 : index
    %swap3A_21 = arith.constant 0 : index
    %swap3A_22 = vector.load %arg4[%swap3A_19, %swap3A_20, %swap3A_21] : memref<8x128x16xi32, #tpu.memory_space<vmem>>, vector<8x128x16xi32>
    tpu.vector_store %arg4[%swap3A_19, %swap3A_20, %swap3A_21], %transpose3A_18 {strides = array<i32>} : memref<8x128x16xi32, #tpu.memory_space<vmem>>, vector<8x128x16xi32>,
    return
  }
  func.func @transform_0(%arg0: i32) -> (i32, i32) {
    %c0_i32 = arith.constant 0 : i32
    %c0_i32_0 = arith.constant 0 : i32
    return %arg0, %c0_i32 : i32, i32
  }
  func.func @transform_1(%arg0: i32) -> (i32, i32) {
    %c0_i32 = arith.constant 0 : i32
    %c0_i32_0 = arith.constant 0 : i32
    %c0_i32_1 = arith.constant 0 : i32
    return %c0_i32, %c0_i32_0 : i32, i32
  }
  func.func @transform_2(%arg0: i32) -> (i32, i32, i32) {
    %c0_i32 = arith.constant 0 : i32
    %c0_i32_0 = arith.constant 0 : i32
    %c0_i32_1 = arith.constant 0 : i32
    return %arg0, %c0_i32, %c0_i32_0 : i32, i32, i32
  }
  func.func @transform_3(%arg0: i32) -> (i32, i32, i32) {
    %c0_i32 = arith.constant 0 : i32
    %c0_i32_0 = arith.constant 0 : i32
    %c0_i32_1 = arith.constant 0 : i32
    return %arg0, %c0_i32, %c0_i32_0 : i32, i32, i32
  }
}

module attributes {stable_mosaic.version = 14 : i64} {
  func.func @_loss_kernel(%arg0: i32, %arg1: memref<256x128xf32, #tpu.memory_space<vmem>>, %arg2: memref<256x128xf32, #tpu.memory_space<vmem>>, %arg3: memref<256x1xi32, #tpu.memory_space<vmem>>, %arg4: memref<256x1xi32, #tpu.memory_space<vmem>>, %arg5: memref<1x1xf32, #tpu.memory_space<vmem>>) attributes {dimension_semantics = [#tpu.dimension_semantics<arbitrary>], iteration_bounds = array<i64: 8>, scalar_prefetch = 0 : i64, scratch_operands = 0 : i64, tpu.core_type = #tpu.core_type<tc>, window_params = [{transform_indices = @transform_0, window_bounds = array<i64: 256, 128>}, {pipeline_mode = #tpu.pipeline_mode<synchronous>, transform_indices = @transform_1, window_bounds = array<i64: 256, 128>}, {transform_indices = @transform_2, window_bounds = array<i64: 256, 1>}, {transform_indices = @transform_3, window_bounds = array<i64: 256, 1>}, {pipeline_mode = #tpu.pipeline_mode<synchronous>, transform_indices = @transform_4, window_bounds = array<i64: 1, 1>}]} {
    %get3A = arith.constant 0 : index
    %get3A_0 = arith.constant 0 : index
    %get3A_1 = vector.load %arg1[%get3A, %get3A_0] : memref<256x128xf32, #tpu.memory_space<vmem>>, vector<256x128xf32>
    %iota3A = tpu.iota {dimensions = array<i32: 1>} : vector<256x256xi32>
    %get3A_2 = arith.constant 0 : index
    %get3A_3 = arith.constant 0 : index
    %get3A_4 = vector.load %arg3[%get3A_2, %get3A_3] : memref<256x1xi32, #tpu.memory_space<vmem>>, vector<256x1xi32>
    %eq3A = vector.broadcast %get3A_4 : vector<256x1xi32> to vector<256x256xi32>
    %eq3A_5 = arith.cmpi eq, %iota3A, %eq3A : vector<256x256xi32>
    %convert_element_type3A = arith.extui %eq3A_5 : vector<256x256xi1> to vector<256x256xi32>
    %convert_element_type3A_6 = arith.sitofp %convert_element_type3A : vector<256x256xi32> to vector<256x256xf32>
    %get3A_7 = arith.constant 0 : index
    %get3A_8 = arith.constant 0 : index
    %get3A_9 = vector.load %arg4[%get3A_7, %get3A_8] : memref<256x1xi32, #tpu.memory_space<vmem>>, vector<256x1xi32>
    %eq3A_10 = vector.broadcast %get3A_9 : vector<256x1xi32> to vector<256x256xi32>
    %eq3A_11 = arith.cmpi eq, %iota3A, %eq3A_10 : vector<256x256xi32>
    %convert_element_type3A_12 = arith.extui %eq3A_11 : vector<256x256xi1> to vector<256x256xi32>
    %convert_element_type3A_13 = arith.sitofp %convert_element_type3A_12 : vector<256x256xi32> to vector<256x256xf32>
    %get3A_14 = arith.constant 0 : index
    %get3A_15 = arith.constant 0 : index
    %get3A_16 = vector.load %arg2[%get3A_14, %get3A_15] : memref<256x128xf32, #tpu.memory_space<vmem>>, vector<256x128xf32>
    %dot_general3A = arith.constant dense<0.000000e+00> : vector<256x128xf32>
    %dot_general3A_17 = tpu.matmul %convert_element_type3A_6, %get3A_16, %dot_general3A {dimension_numbers = #tpu.dot_dimension_numbers<[1], [0], [0], [1], [0, 0, 1, 1], [], []>, transpose_lhs_hint = false} : vector<256x256xf32>, vector<256x128xf32>, vector<256x128xf32> -> vector<256x128xf32>
    %get3A_18 = arith.constant 0 : index
    %get3A_19 = arith.constant 0 : index
    %get3A_20 = vector.load %arg2[%get3A_18, %get3A_19] : memref<256x128xf32, #tpu.memory_space<vmem>>, vector<256x128xf32>
    %dot_general3A_21 = arith.constant dense<0.000000e+00> : vector<256x128xf32>
    %dot_general3A_22 = tpu.matmul %convert_element_type3A_13, %get3A_20, %dot_general3A_21 {dimension_numbers = #tpu.dot_dimension_numbers<[1], [0], [0], [1], [0, 0, 1, 1], [], []>, transpose_lhs_hint = false} : vector<256x256xf32>, vector<256x128xf32>, vector<256x128xf32> -> vector<256x128xf32>
    %sub3A = arith.subf %get3A_1, %dot_general3A_17 : vector<256x128xf32>
    %add3A = arith.constant 9.99999997E-7 : f32
    %add3A_23 = vector.broadcast %add3A : f32 to vector<256x128xf32>
    %add3A_24 = arith.addf %sub3A, %add3A_23 : vector<256x128xf32>
    %sub3A_25 = arith.subf %get3A_1, %dot_general3A_22 : vector<256x128xf32>
    %add3A_26 = arith.constant 9.99999997E-7 : f32
    %add3A_27 = vector.broadcast %add3A_26 : f32 to vector<256x128xf32>
    %add3A_28 = arith.addf %sub3A_25, %add3A_27 : vector<256x128xf32>
    %sub3A_29 = arith.subf %dot_general3A_17, %dot_general3A_22 : vector<256x128xf32>
    %add3A_30 = arith.constant 9.99999997E-7 : f32
    %add3A_31 = vector.broadcast %add3A_30 : f32 to vector<256x128xf32>
    %add3A_32 = arith.addf %sub3A_29, %add3A_31 : vector<256x128xf32>
    %mul3A = arith.mulf %add3A_24, %add3A_24 : vector<256x128xf32>
    %reduce_sum3A = arith.constant dense<0.000000e+00> : vector<256xf32>
    %reduce_sum3A_33 = vector.multi_reduction <add>, %mul3A, %reduce_sum3A [1] : vector<256x128xf32> to vector<256xf32>
    %broadcast_in_dim3A = vector.shape_cast %reduce_sum3A_33 : vector<256xf32> to vector<256x1xf32>
    %sqrt3A = math.sqrt %broadcast_in_dim3A : vector<256x1xf32>
    %mul3A_34 = arith.mulf %add3A_28, %add3A_28 : vector<256x128xf32>
    %reduce_sum3A_35 = arith.constant dense<0.000000e+00> : vector<256xf32>
    %reduce_sum3A_36 = vector.multi_reduction <add>, %mul3A_34, %reduce_sum3A_35 [1] : vector<256x128xf32> to vector<256xf32>
    %broadcast_in_dim3A_37 = vector.shape_cast %reduce_sum3A_36 : vector<256xf32> to vector<256x1xf32>
    %sqrt3A_38 = math.sqrt %broadcast_in_dim3A_37 : vector<256x1xf32>
    %mul3A_39 = arith.mulf %add3A_32, %add3A_32 : vector<256x128xf32>
    %reduce_sum3A_40 = arith.constant dense<0.000000e+00> : vector<256xf32>
    %reduce_sum3A_41 = vector.multi_reduction <add>, %mul3A_39, %reduce_sum3A_40 [1] : vector<256x128xf32> to vector<256xf32>
    %broadcast_in_dim3A_42 = vector.shape_cast %reduce_sum3A_41 : vector<256xf32> to vector<256x1xf32>
    %sqrt3A_43 = math.sqrt %broadcast_in_dim3A_42 : vector<256x1xf32>
    %min3A = arith.minimumf %sqrt3A_38, %sqrt3A_43 : vector<256x1xf32>
    %sub3A_44 = arith.subf %sqrt3A, %min3A : vector<256x1xf32>
    %add3A_45 = arith.constant 1.000000e+00 : f32
    %add3A_46 = vector.broadcast %add3A_45 : f32 to vector<256x1xf32>
    %add3A_47 = arith.addf %sub3A_44, %add3A_46 : vector<256x1xf32>
    %max3A = arith.constant 0.000000e+00 : f32
    %max3A_48 = vector.broadcast %max3A : f32 to vector<256x1xf32>
    %max3A_49 = arith.maximumf %add3A_47, %max3A_48 : vector<256x1xf32>
    %reduce_sum3A_50 = arith.constant dense<0.000000e+00> : vector<1xf32>
    %reduce_sum3A_51 = vector.multi_reduction <add>, %max3A_49, %reduce_sum3A_50 [0] : vector<256x1xf32> to vector<1xf32>
    %broadcast_in_dim3A_52 = vector.shape_cast %reduce_sum3A_51 : vector<1xf32> to vector<1x1xf32>
    %eq3A_53 = arith.constant 0 : i32
    %eq3A_54 = arith.cmpi eq, %arg0, %eq3A_53 : i32
    %convert_element_type3A_55 = arith.extui %eq3A_54 : i1 to i32
    %cond3A = arith.constant 0 : i32
    %cond3A_56 = arith.cmpi ne, %convert_element_type3A_55, %cond3A : i32
    scf.if %cond3A_56 {
      %broadcast_in_dim3A_63 = arith.constant 0.000000e+00 : f32
      %broadcast_in_dim3A_64 = vector.broadcast %broadcast_in_dim3A_63 : f32 to vector<1x1xf32>
      %swap3A_65 = arith.constant 0 : index
      %swap3A_66 = arith.constant 0 : index
      %swap3A_67 = vector.load %arg5[%swap3A_65, %swap3A_66] : memref<1x1xf32, #tpu.memory_space<vmem>>, vector<1x1xf32>
      tpu.vector_store %arg5[%swap3A_65, %swap3A_66], %broadcast_in_dim3A_64 {strides = array<i32>} : memref<1x1xf32, #tpu.memory_space<vmem>>, vector<1x1xf32>,
    } else {
    }
    %get3A_57 = arith.constant 0 : index
    %get3A_58 = arith.constant 0 : index
    %get3A_59 = vector.load %arg5[%get3A_57, %get3A_58] : memref<1x1xf32, #tpu.memory_space<vmem>>, vector<1x1xf32>
    %add3A_60 = arith.addf %get3A_59, %broadcast_in_dim3A_52 : vector<1x1xf32>
    %swap3A = arith.constant 0 : index
    %swap3A_61 = arith.constant 0 : index
    %swap3A_62 = vector.load %arg5[%swap3A, %swap3A_61] : memref<1x1xf32, #tpu.memory_space<vmem>>, vector<1x1xf32>
    tpu.vector_store %arg5[%swap3A, %swap3A_61], %add3A_60 {strides = array<i32>} : memref<1x1xf32, #tpu.memory_space<vmem>>, vector<1x1xf32>,
    return
  }
  func.func @transform_0(%arg0: i32) -> (i32, i32) {
    %c0_i32 = arith.constant 0 : i32
    %c0_i32_0 = arith.constant 0 : i32
    return %arg0, %c0_i32 : i32, i32
  }
  func.func @transform_1(%arg0: i32) -> (i32, i32) {
    %c0_i32 = arith.constant 0 : i32
    %c0_i32_0 = arith.constant 0 : i32
    %c0_i32_1 = arith.constant 0 : i32
    return %c0_i32, %c0_i32_0 : i32, i32
  }
  func.func @transform_2(%arg0: i32) -> (i32, i32) {
    %c0_i32 = arith.constant 0 : i32
    %c0_i32_0 = arith.constant 0 : i32
    return %arg0, %c0_i32 : i32, i32
  }
  func.func @transform_3(%arg0: i32) -> (i32, i32) {
    %c0_i32 = arith.constant 0 : i32
    %c0_i32_0 = arith.constant 0 : i32
    return %arg0, %c0_i32 : i32, i32
  }
  func.func @transform_4(%arg0: i32) -> (i32, i32) {
    %c0_i32 = arith.constant 0 : i32
    %c0_i32_0 = arith.constant 0 : i32
    %c0_i32_1 = arith.constant 0 : i32
    return %c0_i32, %c0_i32_0 : i32, i32
  }
}

</mosaic_0001>

<sc_bundles>
// kernel: kernel.10.cloned.1.call-start
scs
__scs_entry_jumppad:
0x0: {  	(pc) =	sbr.rel $0x88, $3  }
0x1: {  	(tag) =	ssettag $0x0;
	lr =	simm.s32 $0x1  }
0x2: {  	[smem:$0x3F9F] =	sst lr;
	_ =	strace $0xD0000000  }
0x3: {  	_ = 	snop  }
0x4: {  	_ = 	snop  }
0x5: {  	_ = 	snop  }
0x6: {  	_ = 	snop  }
0x7: {  	_ = 	snop  }
__scs_overlays_trampoline_lowered:
0x8: {  	[smem:$0x3FAE] =	sst s0  }
0x9: {  	[smem:$0x3FAF] =	sst s1  }
0xa: {  	[smem:$0x3FB0] =	sst s2  }
0xb: {  	[smem:$0x3FB1] =	sst s3  }
0xc: {  	[smem:$0x3FB2] =	sst s4  }
0xd: {  	[smem:$0x3FB3] =	sst s5  }
0xe: {  	[smem:$0x3FB4] =	sst s6  }
0xf: {  	[smem:$0x3FB5] =	sst s7  }
0x10: {  	[smem:$0x3FB6] =	sst s8  }
0x11: {  	[smem:$0x3FB7] =	sst s9;
	s0 =	simm.s32 @!p0 $0x0  }
0x12: {  	s1 =	sld [smem:$0x3F9D];
	s0 =	simm.s32 @p0 $0x1  }
0x13: {  	[smem:$0x3FB8] =	sst s0;
	s0 =	simm.s32 @!p1 $0x0  }
0x14: {  	s2 =	sld [smem:$0x3F9C];
	s0 =	simm.s32 @p1 $0x1  }
0x15: {  	[smem:$0x3FB9] =	sst s0;
	s0 =	simm.s32 @!p2 $0x0  }
0x16: {  	s3 =	sld [smem:$0x3FDB];
	s0 =	simm.s32 @p2 $0x1  }
0x17: {  	s4 =	simm.s32 $0x1BF5;
	[smem:$0x3FBB] =	sst s0  }
0x18: {  	s0 =	sld [smem:$0x3F9E];
	_ =	swait.ge [sflag:s4], $0x0  }
0x19: {  	s7 =	sld [smem:$0x3F9F]  }
0x1a: {  	s8 =	sadd.s32 $0xFFFFE003, lr  }
0x1b: {  	s9 =	sadd.s32 $0xFFFFFEF7, lr;
	s5 =	simm.s32 $0xFFFFFFFF;
	p2 =	slt.u32 s8, $0xFFFFF086  }
0x1c: {  	p1 =	slt.u32 s9, $0xF7A;
	s5 =	simm.s32 @!p2 $0x0  }
0x1d: {  	s5 =	simm.s32 @p1 $0x1;
	p0 =	seq.s32 s7, s2  }
0x1e: {  	s7 =	smul.u32 @!p0 $0xF7A, s2;
	p2 =	seq.s32 @!p0 s5, $0x0  }
0x1f: {  	s9 =	smul.u32 $0xF7A, s1;
	s8 =	simm.s32 @!p0 $0x1BF5;
	p2 =	por !p2, p0  }
0x20: {  	[sflag:s8] =	ssyncset.s32 @!p0 $0xFFFFF086;
	s6 =	sadd.s32 @!p0 s3, s7;
	s7 =	simm.s32 @!p0 $0x108  }
0x21: {  	s3 =	sadd.s32 s3, s9;
	s6 =	sadd.s32 @!p0 $0x88, s6;
	s7 =	simm.s32 @p2 $0x1082  }
0x22: {  	[simem:s7], [sflag:s8] =	dma.local @!p0 [hbm:s6], $0xF7A  }
0x23: {  	s9 =	sor.u32 $0xD0000000, s2;
	s6 =	simm.s32 $0x108;
	_ =	swait.ge @!p0 [sflag:s8], $0x0  }
0x24: {  	s3 =	sadd.s32 $0x88, s3;
	s6 =	simm.s32 @!p1 $0x1082;
	[sflag:s4] =	ssyncset.s32 $0xFFFFF086  }
0x25: {  	[simem:s6], [sflag:s4] =	dma.local [hbm:s3], $0xF7A  }
0x26: {  	[smem:$0x3F9F] =	sst s1;
	(tag) =	ssettag s2;
	_ =	strace s9  }
0x27: {  	s1 =	sld [smem:$0x3FAF]  }
0x28: {  	s2 =	sld [smem:$0x3FB0]  }
0x29: {  	s4 =	sld [smem:$0x3FB2]  }
0x2a: {  	p0 =	seq.s32 s5, $0x0;
	s5 =	sld [smem:$0x3FB3]  }
0x2b: {  	s6 =	sld [smem:$0x3FB4]  }
0x2c: {  	s7 =	sld [smem:$0x3FB5]  }
0x2d: {  	s3 =	simm.s32 $0x108;
	s8 =	sld [smem:$0x3FB6]  }
0x2e: {  	s3 =	simm.s32 @!p0 $0x1082;
	s9 =	sld [smem:$0x3FB7]  }
0x2f: {  	lr =	sadd.s32 s0, s3;
	s0 =	sld [smem:$0x3FAE]  }
0x30: {  	s3 =	sld [smem:$0x3FB1]  }
0x31: {  	[smem:$0x3FBA] =	sst s10  }
0x32: {  	s10 =	sld [smem:$0x3FB8];
	_ =	sdelay $0x3  }
0x33: {  	p0 =	seq.s32 s10, $0x1;
	s10 =	sld [smem:$0x3FBA];
	_ =	sdelay $0x3  }
0x34: {  	[smem:$0x3FBA] =	sst s10  }
0x35: {  	s10 =	sld [smem:$0x3FB9];
	_ =	sdelay $0x3  }
0x36: {  	p1 =	seq.s32 s10, $0x1;
	s10 =	sld [smem:$0x3FBA];
	_ =	sdelay $0x3  }
0x37: {  	[smem:$0x3FBA] =	sst s10  }
0x38: {  	s10 =	sld [smem:$0x3FBB]  }
0x39: {  	_ = 	snop;
	(pc) =	sbr.ind lr, $3  }
0x3a: {  	_ = 	snop  }
0x3b: {  	_ = 	snop  }
0x3c: {  	p2 =	seq.s32 s10, $0x1;
	s10 =	sld [smem:$0x3FBA]  }
0x3d: {  	_ =	shalt  }
0x3e: {  	_ =	shalt  }
0x3f: {  	_ =	shalt  }
0x40: {  	_ =	shalt  }
0x41: {  	_ =	shalt  }
0x42: {  	_ =	shalt  }
0x43: {  	_ =	shalt  }
0x44: {  	_ =	shalt  }
0x45: {  	_ =	shalt  }
0x46: {  	_ =	shalt  }
0x47: {  	_ =	shalt  }
0x48: {  	_ =	shalt  }
0x49: {  	_ =	shalt  }
0x4a: {  	_ =	shalt  }
0x4b: {  	_ =	shalt  }
0x4c: {  	_ =	shalt  }
0x4d: {  	_ =	shalt  }
0x4e: {  	_ =	shalt  }
0x4f: {  	_ =	shalt  }
0x50: {  	_ =	shalt  }
0x51: {  	_ =	shalt  }
0x52: {  	_ =	shalt  }
0x53: {  	_ =	shalt  }
0x54: {  	_ =	shalt  }
0x55: {  	_ =	shalt  }
0x56: {  	_ =	shalt  }
0x57: {  	_ =	shalt  }
0x58: {  	_ =	shalt  }
0x59: {  	_ =	shalt  }
0x5a: {  	_ =	shalt  }
0x5b: {  	_ =	shalt  }
0x5c: {  	_ =	shalt  }
0x5d: {  	_ =	shalt  }
0x5e: {  	_ =	shalt  }
0x5f: {  	_ =	shalt  }
0x60: {  	_ =	shalt  }
0x61: {  	_ =	shalt  }
0x62: {  	_ =	shalt  }
0x63: {  	_ =	shalt  }
0x64: {  	_ =	shalt  }
0x65: {  	_ =	shalt  }
0x66: {  	_ =	shalt  }
0x67: {  	_ =	shalt  }
0x68: {  	_ =	shalt  }
0x69: {  	_ =	shalt  }
0x6a: {  	_ =	shalt  }
0x6b: {  	_ =	shalt  }
0x6c: {  	_ =	shalt  }
0x6d: {  	_ =	shalt  }
0x6e: {  	_ =	shalt  }
0x6f: {  	_ =	shalt  }
0x70: {  	_ =	shalt  }
0x71: {  	_ =	shalt  }
0x72: {  	_ =	shalt  }
0x73: {  	_ =	shalt  }
0x74: {  	_ =	shalt  }
0x75: {  	_ =	shalt  }
0x76: {  	_ =	shalt  }
0x77: {  	_ =	shalt  }
0x78: {  	_ =	shalt  }
0x79: {  	_ =	shalt  }
0x7a: {  	_ =	shalt  }
0x7b: {  	_ =	shalt  }
0x7c: {  	_ =	shalt  }
0x7d: {  	_ =	shalt  }
0x7e: {  	_ =	shalt  }
0x7f: {  	_ =	shalt  }
0x80: {  	_ =	shalt  }
0x81: {  	_ =	shalt  }
0x82: {  	_ =	shalt  }
0x83: {  	_ =	shalt  }
0x84: {  	_ =	shalt  }
0x85: {  	_ =	shalt  }
0x86: {  	_ =	shalt  }
0x87: {  	_ =	shalt  }
.Lfunc_end0:
.L_simem_size_0:
called_computation.1_lowered:
.L_overlay_start_0:
0x88: {  	s2 =	sld [smem:$0x3FD9]  }
0x89: {  	s3 =	sld [smem:$0x3FFE];
	_ =	sdelay $0x1  }
0x8a: {  	s1 =	srdreg.scid  }
0x8b: {  	s0 =	sand.u32 $0x1, s1  }
0x8c: {  	s17 =	sshll.u32 s0, $0xA;
	s2 =	sadd.s32 s3, s2  }
0x8d: {  	s2 =	sadd.s32 s2, s17  }
0x8e: {  	[smem:$0x3FC6] =	sst s2  }
0x8f: {  	_ = 	snop  }
0x90: {  	(tm) =	ssettm $0x1  }
0x91: {  	s18 =	sld [smem:$0x3FFB];
	_ =	sdelay $0x3  }
0x92: {  	_ =	strace s18  }
0x93: {  	s2 =	sld [smem:$0x3FFC];
	_ =	sdelay $0x3  }
0x94: {  	_ =	strace s2  }
0x95: {  	s2 =	sld [smem:$0x3FFD];
	_ =	sdelay $0x3  }
0x96: {  	_ =	strace s2  }
0x97: {  	_ =	strace $0x8FFFFFFF  }
0x98: {  	s19 =	sld [smem:$0x3FDB];
	_ =	sdelay $0x1  }
0x99: {  	s20 =	simm.s32 $_scs_section_size  }
0x9a: {  	s4 =	simm.s32 $_size__tile_overlayer_lowered;
	s5 =	simm.s32 $_tile_overlayer_lowered  }
0x9b: {  	s6 =	simm.s32 $0x1BFF;
	s21 =	sshll.u32 s5, $0x1;
	s3 =	sadd.s32 s20, s19  }
0x9c: {  	s22 =	simm.s32 $0x0;
	s4 =	sshll.u32 s4, $0x1;
	s5 =	sadd.s32 s21, s3  }
0x9d: {  	[timem:s22], [sflag:s6] =	dma.local [hbm:s5], s4  }
0x9e: {  	_ =	swait.ge [sflag:s6], s4  }
0x9f: {  	s4 =	ssub.s32 $0x0, s4;
	[sflag:s6] =	ssyncset.done $0x0  }
0xa0: {  	[sflag:s6] =	ssyncadd.s32 s4;
	_ =	sdelay $0x1  }
0xa1: {  	s23 =	simm.s32 $0x1B8B  }
0xa2: {  	_ =	swait.ge [sflag:s23], $0x1  }
0xa3: {  	[sflag:s23] =	ssyncset.done $0x0  }
0xa4: {  	[sflag:s23] =	ssyncadd.s32 $0xFFFFFFFF  }
0xa5: {  	s4 =	sld [smem:$0x0]  }
0xa6: {  	s5 =	sand.u32 $0xFFFFFFFE, s1  }
0xa7: {  	p0 =	sne.s32 s1, s5  }
0xa8: {  	s5 =	sshll.u32 @p0 s5, $0xE  }
0xa9: {  	s5 =	sadd.s32 @p0 $0x11B8D, s5;
	s6 =	sshll.u32 @p0 s4, $0x11  }
0xaa: {  	s5 =	sor.u32 @p0 s6, s5  }
0xab: {  	[sflag:s5] =	ssyncadd.remote.s32 @p0 $0x1;
	_ =	sdelay $0x1  }
0xac: {  	s5 =	simm.s32 @p0 $0x1B8D  }
0xad: {  	_ =	swait.eq @p0 [sflag:s5], $0x1  }
0xae: {  	[sflag:s5] =	ssyncadd.s32 @p0 $0xFFFFFFFF  }
0xaf: {  	s6 =	sshll.u32 @!p0 s1, $0xE  }
0xb0: {  	s6 =	sor.u32 @!p0 $0x4000, s6;
	s5 =	simm.s32 @!p0 $0x1B8D  }
0xb1: {  	s4 =	sshll.u32 @!p0 s4, $0x11;
	s6 =	sadd.s32 @!p0 $0x11B8D, s6;
	_ =	swait.eq @!p0 [sflag:s5], $0x1  }
0xb2: {  	s4 =	sor.u32 @!p0 s4, s6;
	[sflag:s5] =	ssyncadd.s32 @!p0 $0xFFFFFFFF  }
0xb3: {  	s25 =	simm.s32 $0x1B8E;
	s24 =	sld [smem:$0x3FFE];
	[sflag:s4] =	ssyncadd.remote.s32 @!p0 $0x1  }
0xb4: {  	s26 =	simm.s32 $execute0_lowered;
	[smem:$0x3FD2] =	sst s25  }
0xb5: {  	s5 =	sshll.u32 s26, $0x1;
	_ =	strace $0x80000049;
	[dreg:$0x1] =	wrdreg $0xFFFFFFFF  }
0xb6: {  	s28 =	simm.s32 $_size_execute0_lowered;
	s3 =	sadd.s32 s3, s5;
	[dreg:$0x0] =	wrdreg $0x0  }
0xb7: {  	s5 =	sshll.u32 s28, $0x1;
	[dreg:$0x2] =	wrdreg s3  }
0xb8: {  	[dreg:$0x3] =	wrdreg s5  }
0xb9: {  	[dreg:$0x4] =	wrdreg $0xC0  }
0xba: {  	_ =	task [dreg:s22], $0x5FFFF  }
0xbb: {  	[dreg:$0x1] =	wrdreg $0xFFFFFFFF  }
0xbc: {  	[dreg:$0x0] =	wrdreg $0x60  }
0xbd: {  	[dreg:$0x2] =	wrdreg s24  }
0xbe: {  	[dreg:$0x3] =	wrdreg $0xA  }
0xbf: {  	_ =	task.clear_ibuf [dreg:s22], $0x4FFFF;
	_ =	strace $0x90000049  }
0xc0: {  	s29 =	simm.s32 $0xA;
	_ =	strace $0x8000004B  }
0xc1: {  	_ =	swait.ge [sflag:s29], $0x1  }
0xc2: {  	[sflag:s29] =	ssyncadd.s32 $0xFFFFFFFF  }
0xc3: {  	_ =	strace $0x9000004B  }
0xc4: {  	_ =	sfence  }
0xc5: {  	s30 =	sld [smem:$0x0];
	_ =	sdelay $0x2  }
0xc6: {  	s31 =	sshll.u32 s1, $0xD;
	s1 =	sshrl.u32 s1, $0x2  }
0xc7: {  	s4 =	sand.u32 $0x4000, s31;
	s1 =	sadd.s32 s1, s30  }
0xc8: {  	s0 =	sor.u32 s4, s0;
	s1 =	sshll.u32 s1, $0x11  }
0xc9: {  	s0 =	sor.u32 s1, s0  }
0xca: {  	s0 =	sadd.s32 $0x8F2B, s0  }
0xcb: {  	[sflag:s0] =	ssyncadd.remote.s32 $0x1  }
0xcc: {  	_ =	sfence.sel $0xFFFF  }
0xcd: {  	[dreg:$0x0] =	wrdreg $0xFFFFFFFF;
	(pc) =	sbr.abs _section_cstart, $3  }
0xce: {  	[dreg:$0x1] =	wrdreg $0xFFFFFFFF  }
0xcf: {  	_ =	task.clear_ibuf [dreg:s22], $0x2FFFF;
	_ =	strace $0x9FFFFFFF  }
0xd0: {  	(tm) =	ssettm $0x7FFFFFFF  }
0xd1: {  	_ =	shalt  }
tec
execute0_lowered:
.L_overlay_start_1:
0x0: {  	(tag) =	ssettag $0x1  }
0x1: {  	s7 =	rddreg [dreg:$0x0]  }
0x2: {  	s0 =	rddreg [dreg:$0x1];
	s1 =	simm.s32 $0x0  }
0x3: {  	s2 =	srdreg.scid;
	s9 =	simm.s32 $0x42800;
	[smem:$0x7FF] =	sst s1  }
0x4: {  	s5 =	sand.u32 $0x1, s2;
	s3 =	sadd.s32 $0x82800, s7;
	s4 =	sadd.s32 $0x82A00, s7  }
0x5: {  	s2 =	stileid.u32;
	_ =	strace $0x8000004A;
	s6 =	ssub.s32 $0x2, s5  }
0x6: {  	p0 =	slt.u32 s2, $0x8;
	s31 =	sshll.u32 s2, $0x3;
	s8 =	sshrl.u32 s6, $0x1  }
0x7: {  	s5 =	sshll.u32 s5, $0x2;
	s9 =	simm.s32 @!p0 $0x62800;
	s6 =	ssub.s32 s6, s8  }
0x8: {  	s8 =	sand.u32 $0x38, s31;
	s7 =	sadd.s32 s9, s7;
	s9 =	simm.s32 $0x4000  }
0x9: {  	v0 =	vimm.s32 $0x0;
	v1 =	vlaneseq.u32;
	s5 =	sor.u32 s5, s8;
	s6 =	smax.u32 s6, $0x1;
	s8 =	simm.s32 $0x2  }
.LBB2_1:
0xa: {  	s10 =	simm.s32 $0x40;
	s11 =	simm.s32 $0x0  }
.LBB2_2:
0xb: {  	p1 =	sne.s32 s10, $0x3FC0;
	[tilespmem:s11+$0x4000] =	vst v0;
	s11 =	smov.u32 s10;
	s10 =	sadd.s32 $0x40, s10  }
.Ltmp0:
0xc: {  	(pc) =	sbr.rel @p1 .LBB2_2-.Ltmp0, $2  }
0xd: {  	_ =	sdelay $0x2  }
0xe: {  	s11 =	sshra.s32 s11, $0x2  }
0xf: {  	[tilespmem:s11+$0x4000] =	vst v0;
	s10 =	simm.s32 $0x0;
	s11 =	simm.s32 $0x0  }
.LBB2_4:
0x10: {  	s12 =	sadd.s32 s5, s11  }
0x11: {  	s13 =	sshll.u32 s12, $0xB  }
0x12: {  	s13 =	sadd.s32 s7, s13  }
0x13: {  	[tilespmem:s10], [sflag:$0x2] =	stream.linear.gather [hbm4b:s13+s10], $0x4000, $0x38;
	[tilespmem:$0x5080] =	vst v63  }
0x14: {  	_ =	swait.ge [sflag:s8], $0x4000  }
0x15: {  	[sflag:s8] =	ssyncset.done $0x0  }
0x16: {  	s30 =	simm.s32 $0x0;
	[sflag:s8] =	ssyncadd.s32 $0xFFFFC000  }
0x17: {  	v4 =	vld [tilespmem:s30+$0x0];
	_ =	sdelay $0x4  }
0x18: {  	v2 =	vshll.u32 v4, $0x4  }
0x19: {  	v6 =	vor.u32 v1, v2;
	_ =	sdelay $0x4  }
0x1a: {  	v2 =	vld.idx.msk [tilespmem:v6+s9+$0x0], $0xffff;
	_ =	sdelay $0x2  }
0x1b: {  	s31 =	sshll.u32 s11, $0x8  }
0x1c: {  	v5 =	vmov s31  }
0x1d: {  	v7 =	vsub.s32 v2, v5  }
0x1e: {  	v3 =	vimm.s32 $0x0;
	s14 =	simm.s32 $0x400;
	s13 =	simm.s32 $0x200;
	v2 =	vor.u32 $0x1, v5;
	vm0 =	vgt.s32 v7, $0x0  }
.LBB2_5:
0x1f: {  	p1 =	sne.s32 s14, $0xFE00;
	v7 =	vnsel vm0, $0x0, v7  }
0x20: {  	v8 =	vadd.s32 v2, v7;
	v7 =	vshll.u32 v7, $0x8  }
0x21: {  	s15 =	sshra.s32 s13, $0x2;
	s13 =	smov.u32 s14;
	[tilespmem:v6+s9+$0x0] =	vst.idx.msk $0xffff, v8;
	v6 =	vsub.s32 v7, v4  }
0x22: {  	v4 =	vld [tilespmem:s15+$0x0];
	v6 =	vadd.s32 $0x1FF, v6  }
0x23: {  	vm0 =	vgt.s32 v3, v6  }
0x24: {  	v3 =	vsel vm0, v3, v6;
	_ =	sdelay $0x2  }
0x25: {  	v6 =	vshll.u32 v4, $0x4  }
0x26: {  	v6 =	vor.u32 v1, v6;
	_ =	sdelay $0x4  }
0x27: {  	v7 =	vld.idx.msk [tilespmem:v6+s9+$0x0], $0xffff;
	_ =	sdelay $0x2  }
.Ltmp1:
0x28: {  	(pc) =	sbr.rel @p1 .LBB2_5-.Ltmp1, $3  }
0x29: {  	_ =	sdelay $0x1  }
0x2a: {  	v7 =	vsub.s32 v7, v5  }
0x2b: {  	s14 =	sadd.s32 $0x200, s14;
	vm0 =	vgt.s32 v7, $0x0  }
0x2c: {  	_ =	sdelay $0x1  }
0x2d: {  	v7 =	vnsel vm0, $0x0, v7  }
0x2e: {  	v8 =	vadd.s32 v2, v7  }
0x2f: {  	s13 =	sshra.s32 s13, $0x2;
	[tilespmem:v6+s9+$0x0] =	vst.idx.msk $0xffff, v8  }
0x30: {  	v6 =	vld [tilespmem:s13+$0x0];
	_ =	sdelay $0x4  }
0x31: {  	v61 =	vshll.u32 v6, $0x4  }
0x32: {  	v8 =	vor.u32 v1, v61;
	_ =	sdelay $0x4  }
0x33: {  	v9 =	vld.idx.msk [tilespmem:v8+s9+$0x0], $0xffff;
	_ =	sdelay $0x4  }
0x34: {  	v5 =	vsub.s32 v9, v5  }
0x35: {  	v7 =	vshll.u32 v7, $0x8;
	vm14 =	vgt.s32 v5, $0x0  }
0x36: {  	v4 =	vsub.s32 v7, v4;
	v5 =	vnsel vm14, $0x0, v5  }
0x37: {  	v4 =	vadd.s32 $0x1FF, v4;
	v62 =	vshll.u32 v5, $0x8  }
0x38: {  	vm15 =	vgt.s32 v3, v4;
	v6 =	vsub.s32 v62, v6  }
0x39: {  	v3 =	vsel vm15, v3, v4;
	v63 =	vadd.s32 $0x1FF, v6  }
0x3a: {  	vm0 =	vgt.s32 v3, v63  }
0x3b: {  	v2 =	vadd.s32 v2, v5;
	v3 =	vsel vm0, v3, v63  }
0x3c: {  	s12 =	sshll.u32 s12, $0x1;
	[tilespmem:v8+s9+$0x0] =	vst.idx.msk $0xffff, v2;
	v2 =	vandn.u32 $0xFF, v3  }
0x3d: {  	s14 =	simm.s32 @p0 $0x0;
	s15 =	simm.s32 @p0 $0x5000;
	s13 =	sadd.s32 @p0 s3, s12;
	[tilespmem:$0x5000] =	vst v2  }
0x3e: {  	[hbm4b:s13+s14] =	stream.linear.scatter @p0 [tilespmem:s15], [sflag:$0x1], $0x10, $0x38;
	[tilespmem:$0x5080] =	vst v63  }
0x3f: {  	s13 =	simm.s32 @p0 $0x1  }
0x40: {  	s11 =	sadd.s32 $0x1, s11;
	_ =	swait.ge @p0 [sflag:s13], $0x10  }
0x41: {  	p1 =	sne.s32 s11, $0x4;
	s12 =	sadd.s32 @!p0 s4, s12;
	[sflag:s13] =	ssyncset.done @p0 $0x0  }
0x42: {  	s14 =	simm.s32 @!p0 $0x5000;
	[sflag:s13] =	ssyncadd.s32 @p0 $0xFFFFFFF0;
	s13 =	simm.s32 @!p0 $0x0  }
0x43: {  	[hbm4b:s12+s13] =	stream.linear.scatter @!p0 [tilespmem:s14], [sflag:$0x2], $0x10, $0x38;
	[tilespmem:$0x5080] =	vst v63  }
.Ltmp2:
0x44: {  	_ = 	snop;
	(pc) =	sbr.rel @p1 .LBB2_4-.Ltmp2, $4  }
0x45: {  	s12 =	simm.s32 @!p0 $0x2  }
0x46: {  	_ =	swait.ge @!p0 [sflag:s12], $0x10  }
0x47: {  	[sflag:s12] =	ssyncset.done @!p0 $0x0  }
0x48: {  	[sflag:s12] =	ssyncadd.s32 @!p0 $0xFFFFFFF0  }
0x49: {  	s1 =	sadd.s32 $0x1, s1  }
0x4a: {  	p1 =	sne.s32 s1, s6  }
.Ltmp3:
0x4b: {  	_ = 	snop;
	(pc) =	sbr.rel @p1 .LBB2_1-.Ltmp3, $1  }
0x4c: {  	_ =	sdelay $0x3  }
0x4d: {  	_ =	sfence.sel $0x180000  }
0x4e: {  	[bflag:$0x0] =	sbarrier.arrive $0xFFFF  }
0x4f: {  	p0 =	sne.s32 s2, $0x0;
	_ =	strace $0x9000004A  }
0x50: {  	s0 =	sadd.s32 @!p0 $0x100000, s0;
	[bflag:$0x2] =	sbarrier.arrive $0xFFFF  }
0x51: {  	[sflag:s0] =	ssyncadd.tile.s32 @!p0 $0x1;
	_ =	shalt  }
.Lfunc_end2:
_tile_overlayer_lowered:
.L_overlay_start_2:
0x52: {  	(tag) =	ssettag $0x2  }
0x53: {  	s0 =	rddreg [dreg:$0x0];
	s2 =	stileid.u32  }
0x54: {  	s1 =	rddreg [dreg:$0x1];
	p0 =	sne.s32 s2, $0x0  }
0x55: {  	s3 =	rddreg [dreg:$0x2];
	[bflag:$0x3] =	sbarrier.arrive $0xFFFF;
	s2 =	simm.s32 @!p0 $0x1C01  }
0x56: {  	[timem:s3], [sflag:s2] =	dma.local @!p0 [hbm:s0], s1  }
0x57: {  	s0 =	simm.s32 @!p0 $0x1  }
0x58: {  	_ =	swait.ge @!p0 [sflag:s0], s1  }
0x59: {  	s1 =	ssub.s32 @!p0 $0x0, s1;
	[sflag:s0] =	ssyncset.done @!p0 $0x0  }
0x5a: {  	[sflag:s0] =	ssyncadd.s32 @!p0 s1  }
0x5b: {  	[bflag:$0x3] =	sbarrier.arrive $0xFFFF  }
0x5c: {  	_ =	shalt  }

// kernel: kernel.7.cloned.1.call-start
scs
__scs_entry_jumppad:
0x0: {  	(pc) =	sbr.rel $0x88, $3  }
0x1: {  	(tag) =	ssettag $0x0;
	lr =	simm.s32 $0x1  }
0x2: {  	[smem:$0x3F9F] =	sst lr;
	_ =	strace $0xD0000000  }
0x3: {  	_ = 	snop  }
0x4: {  	_ = 	snop  }
0x5: {  	_ = 	snop  }
0x6: {  	_ = 	snop  }
0x7: {  	_ = 	snop  }
__scs_overlays_trampoline_lowered:
0x8: {  	[smem:$0x3FAE] =	sst s0  }
0x9: {  	[smem:$0x3FAF] =	sst s1  }
0xa: {  	[smem:$0x3FB0] =	sst s2  }
0xb: {  	[smem:$0x3FB1] =	sst s3  }
0xc: {  	[smem:$0x3FB2] =	sst s4  }
0xd: {  	[smem:$0x3FB3] =	sst s5  }
0xe: {  	[smem:$0x3FB4] =	sst s6  }
0xf: {  	[smem:$0x3FB5] =	sst s7  }
0x10: {  	[smem:$0x3FB6] =	sst s8  }
0x11: {  	[smem:$0x3FB7] =	sst s9;
	s0 =	simm.s32 @!p0 $0x0  }
0x12: {  	s1 =	sld [smem:$0x3F9D];
	s0 =	simm.s32 @p0 $0x1  }
0x13: {  	[smem:$0x3FB8] =	sst s0;
	s0 =	simm.s32 @!p1 $0x0  }
0x14: {  	s2 =	sld [smem:$0x3F9C];
	s0 =	simm.s32 @p1 $0x1  }
0x15: {  	[smem:$0x3FB9] =	sst s0;
	s0 =	simm.s32 @!p2 $0x0  }
0x16: {  	s3 =	sld [smem:$0x3FDB];
	s0 =	simm.s32 @p2 $0x1  }
0x17: {  	s4 =	simm.s32 $0x1BF5;
	[smem:$0x3FBB] =	sst s0  }
0x18: {  	s0 =	sld [smem:$0x3F9E];
	_ =	swait.ge [sflag:s4], $0x0  }
0x19: {  	s7 =	sld [smem:$0x3F9F]  }
0x1a: {  	s8 =	sadd.s32 $0xFFFFE003, lr  }
0x1b: {  	s9 =	sadd.s32 $0xFFFFFEF7, lr;
	s5 =	simm.s32 $0xFFFFFFFF;
	p2 =	slt.u32 s8, $0xFFFFF086  }
0x1c: {  	p1 =	slt.u32 s9, $0xF7A;
	s5 =	simm.s32 @!p2 $0x0  }
0x1d: {  	s5 =	simm.s32 @p1 $0x1;
	p0 =	seq.s32 s7, s2  }
0x1e: {  	s7 =	smul.u32 @!p0 $0xF7A, s2;
	p2 =	seq.s32 @!p0 s5, $0x0  }
0x1f: {  	s9 =	smul.u32 $0xF7A, s1;
	s8 =	simm.s32 @!p0 $0x1BF5;
	p2 =	por !p2, p0  }
0x20: {  	[sflag:s8] =	ssyncset.s32 @!p0 $0xFFFFF086;
	s6 =	sadd.s32 @!p0 s3, s7;
	s7 =	simm.s32 @!p0 $0x108  }
0x21: {  	s3 =	sadd.s32 s3, s9;
	s6 =	sadd.s32 @!p0 $0x88, s6;
	s7 =	simm.s32 @p2 $0x1082  }
0x22: {  	[simem:s7], [sflag:s8] =	dma.local @!p0 [hbm:s6], $0xF7A  }
0x23: {  	s9 =	sor.u32 $0xD0000000, s2;
	s6 =	simm.s32 $0x108;
	_ =	swait.ge @!p0 [sflag:s8], $0x0  }
0x24: {  	s3 =	sadd.s32 $0x88, s3;
	s6 =	simm.s32 @!p1 $0x1082;
	[sflag:s4] =	ssyncset.s32 $0xFFFFF086  }
0x25: {  	[simem:s6], [sflag:s4] =	dma.local [hbm:s3], $0xF7A  }
0x26: {  	[smem:$0x3F9F] =	sst s1;
	(tag) =	ssettag s2;
	_ =	strace s9  }
0x27: {  	s1 =	sld [smem:$0x3FAF]  }
0x28: {  	s2 =	sld [smem:$0x3FB0]  }
0x29: {  	s4 =	sld [smem:$0x3FB2]  }
0x2a: {  	p0 =	seq.s32 s5, $0x0;
	s5 =	sld [smem:$0x3FB3]  }
0x2b: {  	s6 =	sld [smem:$0x3FB4]  }
0x2c: {  	s7 =	sld [smem:$0x3FB5]  }
0x2d: {  	s3 =	simm.s32 $0x108;
	s8 =	sld [smem:$0x3FB6]  }
0x2e: {  	s3 =	simm.s32 @!p0 $0x1082;
	s9 =	sld [smem:$0x3FB7]  }
0x2f: {  	lr =	sadd.s32 s0, s3;
	s0 =	sld [smem:$0x3FAE]  }
0x30: {  	s3 =	sld [smem:$0x3FB1]  }
0x31: {  	[smem:$0x3FBA] =	sst s10  }
0x32: {  	s10 =	sld [smem:$0x3FB8];
	_ =	sdelay $0x3  }
0x33: {  	p0 =	seq.s32 s10, $0x1;
	s10 =	sld [smem:$0x3FBA];
	_ =	sdelay $0x3  }
0x34: {  	[smem:$0x3FBA] =	sst s10  }
0x35: {  	s10 =	sld [smem:$0x3FB9];
	_ =	sdelay $0x3  }
0x36: {  	p1 =	seq.s32 s10, $0x1;
	s10 =	sld [smem:$0x3FBA];
	_ =	sdelay $0x3  }
0x37: {  	[smem:$0x3FBA] =	sst s10  }
0x38: {  	s10 =	sld [smem:$0x3FBB]  }
0x39: {  	_ = 	snop;
	(pc) =	sbr.ind lr, $3  }
0x3a: {  	_ = 	snop  }
0x3b: {  	_ = 	snop  }
0x3c: {  	p2 =	seq.s32 s10, $0x1;
	s10 =	sld [smem:$0x3FBA]  }
0x3d: {  	_ =	shalt  }
0x3e: {  	_ =	shalt  }
0x3f: {  	_ =	shalt  }
0x40: {  	_ =	shalt  }
0x41: {  	_ =	shalt  }
0x42: {  	_ =	shalt  }
0x43: {  	_ =	shalt  }
0x44: {  	_ =	shalt  }
0x45: {  	_ =	shalt  }
0x46: {  	_ =	shalt  }
0x47: {  	_ =	shalt  }
0x48: {  	_ =	shalt  }
0x49: {  	_ =	shalt  }
0x4a: {  	_ =	shalt  }
0x4b: {  	_ =	shalt  }
0x4c: {  	_ =	shalt  }
0x4d: {  	_ =	shalt  }
0x4e: {  	_ =	shalt  }
0x4f: {  	_ =	shalt  }
0x50: {  	_ =	shalt  }
0x51: {  	_ =	shalt  }
0x52: {  	_ =	shalt  }
0x53: {  	_ =	shalt  }
0x54: {  	_ =	shalt  }
0x55: {  	_ =	shalt  }
0x56: {  	_ =	shalt  }
0x57: {  	_ =	shalt  }
0x58: {  	_ =	shalt  }
0x59: {  	_ =	shalt  }
0x5a: {  	_ =	shalt  }
0x5b: {  	_ =	shalt  }
0x5c: {  	_ =	shalt  }
0x5d: {  	_ =	shalt  }
0x5e: {  	_ =	shalt  }
0x5f: {  	_ =	shalt  }
0x60: {  	_ =	shalt  }
0x61: {  	_ =	shalt  }
0x62: {  	_ =	shalt  }
0x63: {  	_ =	shalt  }
0x64: {  	_ =	shalt  }
0x65: {  	_ =	shalt  }
0x66: {  	_ =	shalt  }
0x67: {  	_ =	shalt  }
0x68: {  	_ =	shalt  }
0x69: {  	_ =	shalt  }
0x6a: {  	_ =	shalt  }
0x6b: {  	_ =	shalt  }
0x6c: {  	_ =	shalt  }
0x6d: {  	_ =	shalt  }
0x6e: {  	_ =	shalt  }
0x6f: {  	_ =	shalt  }
0x70: {  	_ =	shalt  }
0x71: {  	_ =	shalt  }
0x72: {  	_ =	shalt  }
0x73: {  	_ =	shalt  }
0x74: {  	_ =	shalt  }
0x75: {  	_ =	shalt  }
0x76: {  	_ =	shalt  }
0x77: {  	_ =	shalt  }
0x78: {  	_ =	shalt  }
0x79: {  	_ =	shalt  }
0x7a: {  	_ =	shalt  }
0x7b: {  	_ =	shalt  }
0x7c: {  	_ =	shalt  }
0x7d: {  	_ =	shalt  }
0x7e: {  	_ =	shalt  }
0x7f: {  	_ =	shalt  }
0x80: {  	_ =	shalt  }
0x81: {  	_ =	shalt  }
0x82: {  	_ =	shalt  }
0x83: {  	_ =	shalt  }
0x84: {  	_ =	shalt  }
0x85: {  	_ =	shalt  }
0x86: {  	_ =	shalt  }
0x87: {  	_ =	shalt  }
.Lfunc_end0:
.L_simem_size_0:
called_computation_lowered:
.L_overlay_start_0:
0x88: {  	s2 =	sld [smem:$0x3FD9]  }
0x89: {  	s3 =	sld [smem:$0x3FFE];
	_ =	sdelay $0x1  }
0x8a: {  	s1 =	srdreg.scid  }
0x8b: {  	s0 =	sand.u32 $0x1, s1  }
0x8c: {  	s16 =	sshll.u32 s0, $0xA;
	s2 =	sadd.s32 s3, s2  }
0x8d: {  	s2 =	sadd.s32 s2, s16  }
0x8e: {  	[smem:$0x3FC6] =	sst s2  }
0x8f: {  	_ = 	snop  }
0x90: {  	(tm) =	ssettm $0x1  }
0x91: {  	s17 =	sld [smem:$0x3FFB];
	_ =	sdelay $0x3  }
0x92: {  	_ =	strace s17  }
0x93: {  	s2 =	sld [smem:$0x3FFC];
	_ =	sdelay $0x3  }
0x94: {  	_ =	strace s2  }
0x95: {  	s2 =	sld [smem:$0x3FFD];
	_ =	sdelay $0x3  }
0x96: {  	_ =	strace s2  }
0x97: {  	_ =	strace $0x8FFFFFFF  }
0x98: {  	s18 =	sld [smem:$0x3FDB];
	_ =	sdelay $0x1  }
0x99: {  	s19 =	simm.s32 $_scs_section_size  }
0x9a: {  	s4 =	simm.s32 $_size__tile_overlayer_lowered;
	s5 =	simm.s32 $_tile_overlayer_lowered  }
0x9b: {  	s22 =	simm.s32 $0x1BFF;
	s21 =	sshll.u32 s5, $0x1;
	s2 =	sadd.s32 s19, s18  }
0x9c: {  	s6 =	simm.s32 $0x0;
	s20 =	sshll.u32 s4, $0x1;
	s4 =	sadd.s32 s21, s2  }
0x9d: {  	[timem:s6], [sflag:s22] =	dma.local [hbm:s4], s20  }
0x9e: {  	_ =	swait.ge [sflag:s22], s20  }
0x9f: {  	s3 =	ssub.s32 $0x0, s20;
	[sflag:s22] =	ssyncset.done $0x0  }
0xa0: {  	[sflag:s22] =	ssyncadd.s32 s3;
	_ =	sdelay $0x1  }
0xa1: {  	s23 =	simm.s32 $0x1B8B  }
0xa2: {  	_ =	swait.ge [sflag:s23], $0x1  }
0xa3: {  	[sflag:s23] =	ssyncset.done $0x0  }
0xa4: {  	s25 =	simm.s32 $0x1B8E;
	s24 =	sld [smem:$0x3FFE];
	[sflag:s23] =	ssyncadd.s32 $0xFFFFFFFF  }
0xa5: {  	s26 =	simm.s32 $execute0_lowered;
	[smem:$0x3FD2] =	sst s25  }
0xa6: {  	s4 =	sshll.u32 s26, $0x1;
	_ =	strace $0x80000046;
	[dreg:$0x1] =	wrdreg $0xFFFFFFFF  }
0xa7: {  	s28 =	simm.s32 $_size_execute0_lowered;
	s2 =	sadd.s32 s2, s4;
	[dreg:$0x0] =	wrdreg $0x0  }
0xa8: {  	s4 =	sshll.u32 s28, $0x1;
	[dreg:$0x2] =	wrdreg s2  }
0xa9: {  	[dreg:$0x3] =	wrdreg s4  }
0xaa: {  	[dreg:$0x4] =	wrdreg $0xC0  }
0xab: {  	_ =	task [dreg:s6], $0x5FFFF  }
0xac: {  	[dreg:$0x1] =	wrdreg $0xFFFFFFFF  }
0xad: {  	[dreg:$0x0] =	wrdreg $0x60  }
0xae: {  	[dreg:$0x2] =	wrdreg s24  }
0xaf: {  	[dreg:$0x3] =	wrdreg $0x9  }
0xb0: {  	_ =	task.clear_ibuf [dreg:s6], $0x4FFFF;
	_ =	strace $0x90000046  }
0xb1: {  	s29 =	simm.s32 $0x9;
	_ =	strace $0x80000048  }
0xb2: {  	_ =	swait.ge [sflag:s29], $0x1  }
0xb3: {  	[sflag:s29] =	ssyncadd.s32 $0xFFFFFFFF  }
0xb4: {  	_ =	strace $0x90000048  }
0xb5: {  	_ =	sfence  }
0xb6: {  	s30 =	sld [smem:$0x0];
	_ =	sdelay $0x2  }
0xb7: {  	s31 =	sshll.u32 s1, $0xD;
	s1 =	sshrl.u32 s1, $0x2  }
0xb8: {  	s3 =	sand.u32 $0x4000, s31;
	s1 =	sadd.s32 s1, s30  }
0xb9: {  	s0 =	sor.u32 s3, s0;
	s1 =	sshll.u32 s1, $0x11  }
0xba: {  	s0 =	sor.u32 s1, s0  }
0xbb: {  	s0 =	sadd.s32 $0x8F2B, s0  }
0xbc: {  	[sflag:s0] =	ssyncadd.remote.s32 $0x1  }
0xbd: {  	_ =	sfence.sel $0xFFFF  }
0xbe: {  	[dreg:$0x0] =	wrdreg $0xFFFFFFFF;
	(pc) =	sbr.abs _section_cstart, $3  }
0xbf: {  	[dreg:$0x1] =	wrdreg $0xFFFFFFFF  }
0xc0: {  	_ =	task.clear_ibuf [dreg:s6], $0x2FFFF;
	_ =	strace $0x9FFFFFFF  }
0xc1: {  	(tm) =	ssettm $0x7FFFFFFF  }
tec
execute0_lowered:
.L_overlay_start_1:
0x0: {  	(tag) =	ssettag $0x1  }
0x1: {  	s7 =	rddreg [dreg:$0x0]  }
0x2: {  	s0 =	rddreg [dreg:$0x1];
	s1 =	simm.s32 $0x0  }
0x3: {  	s2 =	srdreg.scid;
	s9 =	simm.s32 $0x2400;
	[smem:$0x7FF] =	sst s1  }
0x4: {  	s5 =	sand.u32 $0x1, s2;
	s3 =	sadd.s32 $0x42400, s7;
	s4 =	sadd.s32 $0x42600, s7  }
0x5: {  	s2 =	stileid.u32;
	_ =	strace $0x80000047;
	s6 =	ssub.s32 $0x2, s5  }
0x6: {  	p0 =	slt.u32 s2, $0x8;
	s31 =	sshll.u32 s2, $0x3;
	s8 =	sshrl.u32 s6, $0x1  }
0x7: {  	s5 =	sshll.u32 s5, $0x2;
	s9 =	simm.s32 @!p0 $0x22400;
	s6 =	ssub.s32 s6, s8  }
0x8: {  	s8 =	sand.u32 $0x38, s31;
	s7 =	sadd.s32 s9, s7;
	s9 =	simm.s32 $0x4000  }
0x9: {  	v0 =	vimm.s32 $0x0;
	v1 =	vlaneseq.u32;
	s5 =	sor.u32 s5, s8;
	s6 =	smax.u32 s6, $0x1;
	s8 =	simm.s32 $0x2  }
.LBB2_1:
0xa: {  	s10 =	simm.s32 $0x40;
	s11 =	simm.s32 $0x0  }
.LBB2_2:
0xb: {  	p1 =	sne.s32 s10, $0x3FC0;
	[tilespmem:s11+$0x4000] =	vst v0;
	s11 =	smov.u32 s10;
	s10 =	sadd.s32 $0x40, s10  }
.Ltmp0:
0xc: {  	(pc) =	sbr.rel @p1 .LBB2_2-.Ltmp0, $2  }
0xd: {  	_ =	sdelay $0x2  }
0xe: {  	s11 =	sshra.s32 s11, $0x2  }
0xf: {  	[tilespmem:s11+$0x4000] =	vst v0;
	s10 =	simm.s32 $0x0;
	s11 =	simm.s32 $0x0  }
.LBB2_4:
0x10: {  	s12 =	sadd.s32 s5, s11  }
0x11: {  	s13 =	sshll.u32 s12, $0xB  }
0x12: {  	s13 =	sadd.s32 s7, s13  }
0x13: {  	[tilespmem:s10], [sflag:$0x2] =	stream.linear.gather [hbm4b:s13+s10], $0x4000, $0x38;
	[tilespmem:$0x5080] =	vst v63  }
0x14: {  	_ =	swait.ge [sflag:s8], $0x4000  }
0x15: {  	[sflag:s8] =	ssyncset.done $0x0  }
0x16: {  	s30 =	simm.s32 $0x0;
	[sflag:s8] =	ssyncadd.s32 $0xFFFFC000  }
0x17: {  	v4 =	vld [tilespmem:s30+$0x0];
	_ =	sdelay $0x4  }
0x18: {  	v2 =	vshll.u32 v4, $0x4  }
0x19: {  	v6 =	vor.u32 v1, v2;
	_ =	sdelay $0x4  }
0x1a: {  	v2 =	vld.idx.msk [tilespmem:v6+s9+$0x0], $0xffff;
	_ =	sdelay $0x2  }
0x1b: {  	s31 =	sshll.u32 s11, $0x8  }
0x1c: {  	v5 =	vmov s31  }
0x1d: {  	v7 =	vsub.s32 v2, v5  }
0x1e: {  	v3 =	vimm.s32 $0x0;
	s14 =	simm.s32 $0x400;
	s13 =	simm.s32 $0x200;
	v2 =	vor.u32 $0x1, v5;
	vm0 =	vgt.s32 v7, $0x0  }
.LBB2_5:
0x1f: {  	p1 =	sne.s32 s14, $0xFE00;
	v7 =	vnsel vm0, $0x0, v7  }
0x20: {  	v8 =	vadd.s32 v2, v7;
	v7 =	vshll.u32 v7, $0x8  }
0x21: {  	s15 =	sshra.s32 s13, $0x2;
	s13 =	smov.u32 s14;
	[tilespmem:v6+s9+$0x0] =	vst.idx.msk $0xffff, v8;
	v6 =	vsub.s32 v7, v4  }
0x22: {  	v4 =	vld [tilespmem:s15+$0x0];
	v6 =	vadd.s32 $0x1FF, v6  }
0x23: {  	vm0 =	vgt.s32 v3, v6  }
0x24: {  	v3 =	vsel vm0, v3, v6;
	_ =	sdelay $0x2  }
0x25: {  	v6 =	vshll.u32 v4, $0x4  }
0x26: {  	v6 =	vor.u32 v1, v6;
	_ =	sdelay $0x4  }
0x27: {  	v7 =	vld.idx.msk [tilespmem:v6+s9+$0x0], $0xffff;
	_ =	sdelay $0x2  }
.Ltmp1:
0x28: {  	(pc) =	sbr.rel @p1 .LBB2_5-.Ltmp1, $3  }
0x29: {  	_ =	sdelay $0x1  }
0x2a: {  	v7 =	vsub.s32 v7, v5  }
0x2b: {  	s14 =	sadd.s32 $0x200, s14;
	vm0 =	vgt.s32 v7, $0x0  }
0x2c: {  	_ =	sdelay $0x1  }
0x2d: {  	v7 =	vnsel vm0, $0x0, v7  }
0x2e: {  	v8 =	vadd.s32 v2, v7  }
0x2f: {  	s13 =	sshra.s32 s13, $0x2;
	[tilespmem:v6+s9+$0x0] =	vst.idx.msk $0xffff, v8  }
0x30: {  	v6 =	vld [tilespmem:s13+$0x0];
	_ =	sdelay $0x4  }
0x31: {  	v61 =	vshll.u32 v6, $0x4  }
0x32: {  	v8 =	vor.u32 v1, v61;
	_ =	sdelay $0x4  }
0x33: {  	v9 =	vld.idx.msk [tilespmem:v8+s9+$0x0], $0xffff;
	_ =	sdelay $0x4  }
0x34: {  	v5 =	vsub.s32 v9, v5  }
0x35: {  	v7 =	vshll.u32 v7, $0x8;
	vm14 =	vgt.s32 v5, $0x0  }
0x36: {  	v4 =	vsub.s32 v7, v4;
	v5 =	vnsel vm14, $0x0, v5  }
0x37: {  	v4 =	vadd.s32 $0x1FF, v4;
	v62 =	vshll.u32 v5, $0x8  }
0x38: {  	vm15 =	vgt.s32 v3, v4;
	v6 =	vsub.s32 v62, v6  }
0x39: {  	v3 =	vsel vm15, v3, v4;
	v63 =	vadd.s32 $0x1FF, v6  }
0x3a: {  	vm0 =	vgt.s32 v3, v63  }
0x3b: {  	v2 =	vadd.s32 v2, v5;
	v3 =	vsel vm0, v3, v63  }
0x3c: {  	s12 =	sshll.u32 s12, $0x1;
	[tilespmem:v8+s9+$0x0] =	vst.idx.msk $0xffff, v2;
	v2 =	vandn.u32 $0xFF, v3  }
0x3d: {  	s14 =	simm.s32 @p0 $0x0;
	s15 =	simm.s32 @p0 $0x5000;
	s13 =	sadd.s32 @p0 s3, s12;
	[tilespmem:$0x5000] =	vst v2  }
0x3e: {  	[hbm4b:s13+s14] =	stream.linear.scatter @p0 [tilespmem:s15], [sflag:$0x1], $0x10, $0x38;
	[tilespmem:$0x5080] =	vst v63  }
0x3f: {  	s13 =	simm.s32 @p0 $0x1  }
0x40: {  	s11 =	sadd.s32 $0x1, s11;
	_ =	swait.ge @p0 [sflag:s13], $0x10  }
0x41: {  	p1 =	sne.s32 s11, $0x4;
	s12 =	sadd.s32 @!p0 s4, s12;
	[sflag:s13] =	ssyncset.done @p0 $0x0  }
0x42: {  	s14 =	simm.s32 @!p0 $0x5000;
	[sflag:s13] =	ssyncadd.s32 @p0 $0xFFFFFFF0;
	s13 =	simm.s32 @!p0 $0x0  }
0x43: {  	[hbm4b:s12+s13] =	stream.linear.scatter @!p0 [tilespmem:s14], [sflag:$0x2], $0x10, $0x38;
	[tilespmem:$0x5080] =	vst v63  }
.Ltmp2:
0x44: {  	_ = 	snop;
	(pc) =	sbr.rel @p1 .LBB2_4-.Ltmp2, $4  }
0x45: {  	s12 =	simm.s32 @!p0 $0x2  }
0x46: {  	_ =	swait.ge @!p0 [sflag:s12], $0x10  }
0x47: {  	[sflag:s12] =	ssyncset.done @!p0 $0x0  }
0x48: {  	[sflag:s12] =	ssyncadd.s32 @!p0 $0xFFFFFFF0  }
0x49: {  	s1 =	sadd.s32 $0x1, s1  }
0x4a: {  	p1 =	sne.s32 s1, s6  }
.Ltmp3:
0x4b: {  	_ = 	snop;
	(pc) =	sbr.rel @p1 .LBB2_1-.Ltmp3, $1  }
0x4c: {  	_ =	sdelay $0x3  }
0x4d: {  	_ =	sfence.sel $0x180000  }
0x4e: {  	[bflag:$0x0] =	sbarrier.arrive $0xFFFF  }
0x4f: {  	p0 =	sne.s32 s2, $0x0;
	_ =	strace $0x90000047  }
0x50: {  	s0 =	sadd.s32 @!p0 $0x100000, s0;
	[bflag:$0x2] =	sbarrier.arrive $0xFFFF  }
0x51: {  	[sflag:s0] =	ssyncadd.tile.s32 @!p0 $0x1;
	_ =	shalt  }
.Lfunc_end2:
_tile_overlayer_lowered:
.L_overlay_start_2:
0x52: {  	(tag) =	ssettag $0x2  }
0x53: {  	s0 =	rddreg [dreg:$0x0];
	s2 =	stileid.u32  }
0x54: {  	s1 =	rddreg [dreg:$0x1];
	p0 =	sne.s32 s2, $0x0  }
0x55: {  	s3 =	rddreg [dreg:$0x2];
	[bflag:$0x3] =	sbarrier.arrive $0xFFFF;
	s2 =	simm.s32 @!p0 $0x1C01  }
0x56: {  	[timem:s3], [sflag:s2] =	dma.local @!p0 [hbm:s0], s1  }
0x57: {  	s0 =	simm.s32 @!p0 $0x1  }
0x58: {  	_ =	swait.ge @!p0 [sflag:s0], s1  }
0x59: {  	s1 =	ssub.s32 @!p0 $0x0, s1;
	[sflag:s0] =	ssyncset.done @!p0 $0x0  }
0x5a: {  	[sflag:s0] =	ssyncadd.s32 @!p0 s1  }
0x5b: {  	[bflag:$0x3] =	sbarrier.arrive $0xFFFF  }
0x5c: {  	_ =	shalt  }

</sc_bundles>
